<compile_context>
chip_gen: v7x
topology: tpu7x:2x2x1
jax: 0.10.2.dev20260603
libtpu: 0.0.44.dev20260713+nightly
codegen_flags: <defaults>
</compile_context>

<pallas_src>
import functools

import jax
import jax.numpy as jnp
from jax import lax
from jax.experimental import pallas as pl
from jax.experimental.pallas import tpu as pltpu
from jax.experimental.pallas import tpu_sc as plsc

BATCH = 1024
SEQ = 200
WORD_DIM = 128
POS_DIM = 5
NPOS = 400
OUT_DIM = WORD_DIM + 2 * POS_DIM
TOK = BATCH * SEQ

_NW = 32
_PER_W = TOK // _NW
_C = 128
_CHUNKS = _PER_W // _C
_L = 16
_OBW = _C + 1


def _make_kernel():
    mesh = plsc.VectorSubcoreMesh(core_axis_name="c", subcore_axis_name="s")

    @functools.partial(
        pl.kernel,
        mesh=mesh,
        compiler_params=pltpu.CompilerParams(
            needs_layout_passes=False, use_tc_tiling_on_sc=False),
        out_type=jax.ShapeDtypeStruct(
            (OUT_DIM, SEQ // 8, BATCH // 128, 8, 128), jnp.float32),
        scratch_types=[
            pltpu.VMEM((_PER_W,), jnp.int32),
            pltpu.VMEM((_PER_W,), jnp.int32),
            pltpu.VMEM((_PER_W,), jnp.int32),
            pltpu.VMEM((NPOS * POS_DIM,), jnp.float32),
            pltpu.VMEM((NPOS * POS_DIM,), jnp.float32),
            pltpu.VMEM((_C, WORD_DIM), jnp.float32),
            pltpu.VMEM((_C, WORD_DIM), jnp.float32),
            pltpu.VMEM((OUT_DIM, _OBW), jnp.float32),
            pltpu.VMEM((OUT_DIM, _OBW), jnp.float32),
            pltpu.SemaphoreType.DMA,
            pltpu.SemaphoreType.DMA,
            pltpu.SemaphoreType.DMA,
            pltpu.SemaphoreType.DMA,
        ],
    )
    def k(word_hbm, p1_hbm, p2_hbm, wt_hbm, p1t_hbm, p2t_hbm, out_hbm,
          widx, p1idx, p2idx, p1t_v, p2t_v, wbuf0, wbuf1, obuf0, obuf1,
          sem0, sem1, osem0, osem1):
        wid = lax.axis_index("s") * 2 + lax.axis_index("c")
        tbase = wid * _PER_W
        pltpu.sync_copy(p1t_hbm, p1t_v)
        pltpu.sync_copy(p2t_hbm, p2t_v)
        pltpu.sync_copy(word_hbm.at[pl.ds(tbase, _PER_W)], widx)
        pltpu.sync_copy(p1_hbm.at[pl.ds(tbase, _PER_W)], p1idx)
        pltpu.sync_copy(p2_hbm.at[pl.ds(tbase, _PER_W)], p2idx)
        lane = lax.iota(jnp.int32, _L)
        dvecs = [c * _L + lane for c in range(WORD_DIM // _L)]

        def gather(c, buf, sem):
            return pltpu.async_copy(
                wt_hbm.at[widx.at[pl.ds(c * _C, _C)]], buf, sem)

        def do_chunk(c, buf, sem, obuf, osem):
            j0 = tbase + c * _C
            s = j0 // BATCH
            b0 = pl.multiple_of(j0 % BATCH, _C)
            dst = out_hbm.at[:, s // 8, b0 // _C, s % 8, :]

            @pl.when(c >= 2)
            def _():
                pltpu.make_async_copy(obuf.at[:, pl.ds(0, _C)], dst, osem).wait()

            @plsc.parallel_loop(0, _C // _L, unroll=2)
            def pgroup(g):
                i1 = p1idx[pl.ds(c * _C + g * _L, _L)] * POS_DIM
                i2 = p2idx[pl.ds(c * _C + g * _L, _L)] * POS_DIM
                for dd in range(POS_DIM):
                    obuf[WORD_DIM + dd, pl.ds(g * _L, _L)] = (
                        plsc.load_gather(p1t_v, [i1 + dd]))
                    obuf[WORD_DIM + POS_DIM + dd, pl.ds(g * _L, _L)] = (
                        plsc.load_gather(p2t_v, [i2 + dd]))
            pltpu.make_async_copy(
                wt_hbm.at[widx.at[pl.ds(c * _C, _C)]], buf, sem).wait()

            @plsc.parallel_loop(0, _C, unroll=4)
            def trow(t):
                col = jnp.full((_L,), t, jnp.int32)
                for cc in range(WORD_DIM // _L):
                    v = buf[t, pl.ds(cc * _L, _L)]
                    plsc.store_scatter(obuf, [dvecs[cc], col], v)
            pltpu.async_copy(obuf.at[:, pl.ds(0, _C)], dst, osem)

        gather(0, wbuf0, sem0)

        def pair(p, carry):
            c0 = p * 2
            gather(c0 + 1, wbuf1, sem1)
            do_chunk(c0, wbuf0, sem0, obuf0, osem0)

            @pl.when(c0 + 2 < _CHUNKS)
            def _():
                gather(c0 + 2, wbuf0, sem0)

            do_chunk(c0 + 1, wbuf1, sem1, obuf1, osem1)
            return carry

        lax.fori_loop(0, _CHUNKS // 2, pair, 0)
        pltpu.make_async_copy(
            obuf0.at[:, pl.ds(0, _C)],
            out_hbm.at[:, 0, 0, 0, :], osem0).wait()
        pltpu.make_async_copy(
            obuf1.at[:, pl.ds(0, _C)],
            out_hbm.at[:, 0, 0, 0, :], osem1).wait()

    return k


_k = _make_kernel()


def kernel(word, pos1, pos2, word_table, pos1_table, pos2_table):
    p1t = pos1_table.at[0].set(0.0)
    p2t = pos2_table.at[0].set(0.0)
    out_p = _k(word.T.reshape(TOK).astype(jnp.int32),
               pos1.T.reshape(TOK).astype(jnp.int32),
               pos2.T.reshape(TOK).astype(jnp.int32),
               word_table, p1t.reshape(-1), p2t.reshape(-1))
    return jnp.transpose(out_p, (2, 4, 1, 3, 0)).reshape(BATCH, SEQ, OUT_DIM)

# --- scband reference (transcript-rebuilt; emitter-appended) ---
"""Pipeline reference for scband-embedding-24524263260443 (READ-ONLY COPY).

The authoritative reference and input builder live on the scoring server;
editing this copy changes nothing except your own understanding.
"""

import jax, jax.numpy as jnp
import numpy as np

VOCAB = 100000
WORD_DIM = 128
MAX_LENGTH = 200
POS_DIM = 5
BATCH = 1024
SEQ = 200

def setup_inputs(seed: int = 0) -> dict:
    key = jax.random.key(seed)
    k1, k2, k3, k4, k5, k6 = jax.random.split(key, 6)
    word = jax.random.randint(k1, (BATCH, SEQ), 0, VOCAB, dtype=jnp.int64) if jax.config.jax_enable_x64 else jax.random.randint(k1, (BATCH, SEQ), 0, VOCAB, dtype=jnp.int32)
    pos1 = jax.random.randint(k2, (BATCH, SEQ), 0, 2 * MAX_LENGTH, dtype=word.dtype)
    pos2 = jax.random.randint(k3, (BATCH, SEQ), 0, 2 * MAX_LENGTH, dtype=word.dtype)
    word_table = jax.random.normal(k4, (VOCAB, WORD_DIM), dtype=jnp.float32)
    pos1_table = jax.random.normal(k5, (2 * MAX_LENGTH, POS_DIM), dtype=jnp.float32)
    pos2_table = jax.random.normal(k6, (2 * MAX_LENGTH, POS_DIM), dtype=jnp.float32)
    return {"word": word, "pos1": pos1, "pos2": pos2,
            "word_table": word_table, "pos1_table": pos1_table, "pos2_table": pos2_table}

def reference(word, pos1, pos2, word_table, pos1_table, pos2_table):
    # padding_idx=0 for positional embeddings (torch nn.Embedding(padding_idx=0))
    p1t = pos1_table.at[0].set(0.0)
    p2t = pos2_table.at[0].set(0.0)
    w = jnp.take(word_table, word, axis=0)          # [B, S, WORD_DIM]
    e1 = jnp.take(p1t, pos1, axis=0)                # [B, S, POS_DIM]
    e2 = jnp.take(p2t, pos2, axis=0)                # [B, S, POS_DIM]
    x = jnp.concatenate([w, e1, e2], axis=2)        # [B, S, WORD_DIM + 2*POS_DIM]
    return x

if __name__ == "__main__":
    import jax
    _d = setup_inputs()
    print(jax.jit(kernel)(*tuple(_d.values())))

</pallas_src>

<mosaic_0001>
#map = affine_map<(d0, d1) -> (0)>
#map1 = affine_map<(d0, d1) -> (0, 0)>
#map2 = affine_map<(d0, d1) -> (0, 0, 0, 0, 0)>
module attributes {stable_mosaic.version = 14 : i64} {
  func.func @k(%arg0: i32, %arg1: i32, %arg2: memref<204800xi32, #tpu.memory_space<hbm>>, %arg3: memref<204800xi32, #tpu.memory_space<hbm>>, %arg4: memref<204800xi32, #tpu.memory_space<hbm>>, %arg5: memref<100000x128xf32, #tpu.memory_space<hbm>>, %arg6: memref<2000xf32, #tpu.memory_space<hbm>>, %arg7: memref<2000xf32, #tpu.memory_space<hbm>>, %arg8: memref<138x25x8x8x128xf32, #tpu.memory_space<hbm>>, %arg9: memref<6400xi32, #tpu.memory_space<vmem>>, %arg10: memref<6400xi32, #tpu.memory_space<vmem>>, %arg11: memref<6400xi32, #tpu.memory_space<vmem>>, %arg12: memref<2000xf32, #tpu.memory_space<vmem>>, %arg13: memref<2000xf32, #tpu.memory_space<vmem>>, %arg14: memref<128x128xf32, #tpu.memory_space<vmem>>, %arg15: memref<128x128xf32, #tpu.memory_space<vmem>>, %arg16: memref<138x129xf32, #tpu.memory_space<vmem>>, %arg17: memref<138x129xf32, #tpu.memory_space<vmem>>, %arg18: memref<!tpu.dma_semaphore, #tpu.memory_space<semaphore_mem>>, %arg19: memref<!tpu.dma_semaphore, #tpu.memory_space<semaphore_mem>>, %arg20: memref<!tpu.dma_semaphore, #tpu.memory_space<semaphore_mem>>, %arg21: memref<!tpu.dma_semaphore, #tpu.memory_space<semaphore_mem>>) attributes {dimension_semantics = [#tpu.dimension_semantics<core_parallel>, #tpu.dimension_semantics<subcore_parallel>], iteration_bounds = array<i64: 2, 16>, scalar_prefetch = 0 : i64, scratch_operands = 13 : i64, tpu.core_type = #tpu.core_type<sc_vector_subcore>, window_params = [{transform_indices = #map}, {transform_indices = #map}, {transform_indices = #map}, {transform_indices = #map1}, {transform_indices = #map}, {transform_indices = #map}, {transform_indices = #map2}]} {
    %mul3A = arith.constant 2 : i32
    %mul3A_0 = arith.muli %arg1, %mul3A : i32
    %add3A = arith.addi %mul3A_0, %arg0 : i32
    %mul3A_1 = arith.constant 6400 : i32
    %mul3A_2 = arith.muli %add3A, %mul3A_1 : i32
    "tpu.region"() ({
      %run_scoped3A = tpu.sem_alloc : memref<!tpu.dma_semaphore, #tpu.memory_space<semaphore_mem>>
      tpu.enqueue_dma source(%arg6 : memref<2000xf32, #tpu.memory_space<hbm>>) target(%arg12 : memref<2000xf32, #tpu.memory_space<vmem>>) target_semaphore(%run_scoped3A : memref<!tpu.dma_semaphore, #tpu.memory_space<semaphore_mem>>)
      tpu.wait_dma2 semaphore(%run_scoped3A : memref<!tpu.dma_semaphore, #tpu.memory_space<semaphore_mem>>) src(%arg6 : memref<2000xf32, #tpu.memory_space<hbm>>) dst(%arg12 : memref<2000xf32, #tpu.memory_space<vmem>>)
      tpu.yield
    }) : () -> ()
    "tpu.region"() ({
      %run_scoped3A = tpu.sem_alloc : memref<!tpu.dma_semaphore, #tpu.memory_space<semaphore_mem>>
      tpu.enqueue_dma source(%arg7 : memref<2000xf32, #tpu.memory_space<hbm>>) target(%arg13 : memref<2000xf32, #tpu.memory_space<vmem>>) target_semaphore(%run_scoped3A : memref<!tpu.dma_semaphore, #tpu.memory_space<semaphore_mem>>)
      tpu.wait_dma2 semaphore(%run_scoped3A : memref<!tpu.dma_semaphore, #tpu.memory_space<semaphore_mem>>) src(%arg7 : memref<2000xf32, #tpu.memory_space<hbm>>) dst(%arg13 : memref<2000xf32, #tpu.memory_space<vmem>>)
      tpu.yield
    }) : () -> ()
    "tpu.region"() ({
      %run_scoped3A = tpu.sem_alloc : memref<!tpu.dma_semaphore, #tpu.memory_space<semaphore_mem>>
      %dma_start3A_69 = tpu.memref_slice %arg2[%mul3A_2] : memref<204800xi32, #tpu.memory_space<hbm>> -> memref<6400xi32, #tpu.memory_space<hbm>>
      %dma_start3A_70 = tpu.memref_slice %arg2[%mul3A_2] : memref<204800xi32, #tpu.memory_space<hbm>> -> memref<6400xi32, #tpu.memory_space<hbm>>
      tpu.enqueue_dma source(%dma_start3A_70 : memref<6400xi32, #tpu.memory_space<hbm>>) target(%arg9 : memref<6400xi32, #tpu.memory_space<vmem>>) target_semaphore(%run_scoped3A : memref<!tpu.dma_semaphore, #tpu.memory_space<semaphore_mem>>)
      %dma_wait3A_71 = tpu.memref_slice %arg2[%mul3A_2] : memref<204800xi32, #tpu.memory_space<hbm>> -> memref<6400xi32, #tpu.memory_space<hbm>>
      %dma_wait3A_72 = tpu.memref_slice %arg2[%mul3A_2] : memref<204800xi32, #tpu.memory_space<hbm>> -> memref<6400xi32, #tpu.memory_space<hbm>>
      tpu.wait_dma2 semaphore(%run_scoped3A : memref<!tpu.dma_semaphore, #tpu.memory_space<semaphore_mem>>) src(%dma_wait3A_72 : memref<6400xi32, #tpu.memory_space<hbm>>) dst(%arg9 : memref<6400xi32, #tpu.memory_space<vmem>>)
      tpu.yield
    }) : () -> ()
    "tpu.region"() ({
      %run_scoped3A = tpu.sem_alloc : memref<!tpu.dma_semaphore, #tpu.memory_space<semaphore_mem>>
      %dma_start3A_69 = tpu.memref_slice %arg3[%mul3A_2] : memref<204800xi32, #tpu.memory_space<hbm>> -> memref<6400xi32, #tpu.memory_space<hbm>>
      %dma_start3A_70 = tpu.memref_slice %arg3[%mul3A_2] : memref<204800xi32, #tpu.memory_space<hbm>> -> memref<6400xi32, #tpu.memory_space<hbm>>
      tpu.enqueue_dma source(%dma_start3A_70 : memref<6400xi32, #tpu.memory_space<hbm>>) target(%arg10 : memref<6400xi32, #tpu.memory_space<vmem>>) target_semaphore(%run_scoped3A : memref<!tpu.dma_semaphore, #tpu.memory_space<semaphore_mem>>)
      %dma_wait3A_71 = tpu.memref_slice %arg3[%mul3A_2] : memref<204800xi32, #tpu.memory_space<hbm>> -> memref<6400xi32, #tpu.memory_space<hbm>>
      %dma_wait3A_72 = tpu.memref_slice %arg3[%mul3A_2] : memref<204800xi32, #tpu.memory_space<hbm>> -> memref<6400xi32, #tpu.memory_space<hbm>>
      tpu.wait_dma2 semaphore(%run_scoped3A : memref<!tpu.dma_semaphore, #tpu.memory_space<semaphore_mem>>) src(%dma_wait3A_72 : memref<6400xi32, #tpu.memory_space<hbm>>) dst(%arg10 : memref<6400xi32, #tpu.memory_space<vmem>>)
      tpu.yield
    }) : () -> ()
    "tpu.region"() ({
      %run_scoped3A = tpu.sem_alloc : memref<!tpu.dma_semaphore, #tpu.memory_space<semaphore_mem>>
      %dma_start3A_69 = tpu.memref_slice %arg4[%mul3A_2] : memref<204800xi32, #tpu.memory_space<hbm>> -> memref<6400xi32, #tpu.memory_space<hbm>>
      %dma_start3A_70 = tpu.memref_slice %arg4[%mul3A_2] : memref<204800xi32, #tpu.memory_space<hbm>> -> memref<6400xi32, #tpu.memory_space<hbm>>
      tpu.enqueue_dma source(%dma_start3A_70 : memref<6400xi32, #tpu.memory_space<hbm>>) target(%arg11 : memref<6400xi32, #tpu.memory_space<vmem>>) target_semaphore(%run_scoped3A : memref<!tpu.dma_semaphore, #tpu.memory_space<semaphore_mem>>)
      %dma_wait3A_71 = tpu.memref_slice %arg4[%mul3A_2] : memref<204800xi32, #tpu.memory_space<hbm>> -> memref<6400xi32, #tpu.memory_space<hbm>>
      %dma_wait3A_72 = tpu.memref_slice %arg4[%mul3A_2] : memref<204800xi32, #tpu.memory_space<hbm>> -> memref<6400xi32, #tpu.memory_space<hbm>>
      tpu.wait_dma2 semaphore(%run_scoped3A : memref<!tpu.dma_semaphore, #tpu.memory_space<semaphore_mem>>) src(%dma_wait3A_72 : memref<6400xi32, #tpu.memory_space<hbm>>) dst(%arg11 : memref<6400xi32, #tpu.memory_space<vmem>>)
      tpu.yield
    }) : () -> ()
    %iota3A = tpu.iota {dimensions = array<i32: 0>} : vector<16xi32>
    %add3A_3 = arith.constant 0 : i32
    %add3A_4 = vector.broadcast %add3A_3 : i32 to vector<16xi32>
    %add3A_5 = arith.addi %add3A_4, %iota3A : vector<16xi32>
    %add3A_6 = arith.constant 16 : i32
    %add3A_7 = vector.broadcast %add3A_6 : i32 to vector<16xi32>
    %add3A_8 = arith.addi %add3A_7, %iota3A : vector<16xi32>
    %add3A_9 = arith.constant 32 : i32
    %add3A_10 = vector.broadcast %add3A_9 : i32 to vector<16xi32>
    %add3A_11 = arith.addi %add3A_10, %iota3A : vector<16xi32>
    %add3A_12 = arith.constant 48 : i32
    %add3A_13 = vector.broadcast %add3A_12 : i32 to vector<16xi32>
    %add3A_14 = arith.addi %add3A_13, %iota3A : vector<16xi32>
    %add3A_15 = arith.constant 64 : i32
    %add3A_16 = vector.broadcast %add3A_15 : i32 to vector<16xi32>
    %add3A_17 = arith.addi %add3A_16, %iota3A : vector<16xi32>
    %add3A_18 = arith.constant 80 : i32
    %add3A_19 = vector.broadcast %add3A_18 : i32 to vector<16xi32>
    %add3A_20 = arith.addi %add3A_19, %iota3A : vector<16xi32>
    %add3A_21 = arith.constant 96 : i32
    %add3A_22 = vector.broadcast %add3A_21 : i32 to vector<16xi32>
    %add3A_23 = arith.addi %add3A_22, %iota3A : vector<16xi32>
    %add3A_24 = arith.constant 112 : i32
    %add3A_25 = vector.broadcast %add3A_24 : i32 to vector<16xi32>
    %add3A_26 = arith.addi %add3A_25, %iota3A : vector<16xi32>
    %dma_start3A = arith.constant 0 : i32
    %dma_start3A_27 = tpu.memref_slice %arg9[%dma_start3A] : memref<6400xi32, #tpu.memory_space<vmem>> -> memref<128xi32, #tpu.memory_space<vmem>>
    %dma_start3A_28 = arith.constant 0 : i32
    %dma_start3A_29 = arith.constant 0 : i32
    %dma_start3A_30 = tpu.memref_slice %arg5[%dma_start3A_28, %dma_start3A_29] : memref<100000x128xf32, #tpu.memory_space<hbm>> -> memref<100000x128xf32, #tpu.memory_space<hbm>>
    tpu.enqueue_indirect_dma source(%dma_start3A_30 : memref<100000x128xf32, #tpu.memory_space<hbm>>) target(%arg14 : memref<128x128xf32, #tpu.memory_space<vmem>>) offsets(%dma_start3A_27 : memref<128xi32, #tpu.memory_space<vmem>>) semaphore(%arg18 : memref<!tpu.dma_semaphore, #tpu.memory_space<semaphore_mem>>)
    %scan3A = arith.constant 0 : i32
    %scan3A_31 = arith.constant 0 : i32
    %scan3A_32 = arith.constant 25 : i32
    %scan3A_33 = arith.addi %scan3A_31, %scan3A_32 : i32
    %scan3A_34 = arith.constant 1 : i32
    scf.for %scan3A_69 = %scan3A_31 to %scan3A_33 step %scan3A_34  : i32 {
      %mul3A_70 = arith.constant 2 : i32
      %mul3A_71 = arith.muli %scan3A_69, %mul3A_70 : i32
      %add3A_72 = arith.constant 1 : i32
      %add3A_73 = arith.addi %mul3A_71, %add3A_72 : i32
      %mul3A_74 = arith.constant 128 : i32
      %mul3A_75 = arith.muli %add3A_73, %mul3A_74 : i32
      %dma_start3A_76 = tpu.memref_slice %arg9[%mul3A_75] : memref<6400xi32, #tpu.memory_space<vmem>> -> memref<128xi32, #tpu.memory_space<vmem>>
      %dma_start3A_77 = arith.constant 0 : i32
      %dma_start3A_78 = arith.constant 0 : i32
      %dma_start3A_79 = tpu.memref_slice %arg5[%dma_start3A_77, %dma_start3A_78] : memref<100000x128xf32, #tpu.memory_space<hbm>> -> memref<100000x128xf32, #tpu.memory_space<hbm>>
      tpu.enqueue_indirect_dma source(%dma_start3A_79 : memref<100000x128xf32, #tpu.memory_space<hbm>>) target(%arg15 : memref<128x128xf32, #tpu.memory_space<vmem>>) offsets(%dma_start3A_76 : memref<128xi32, #tpu.memory_space<vmem>>) semaphore(%arg19 : memref<!tpu.dma_semaphore, #tpu.memory_space<semaphore_mem>>)
      %mul3A_80 = arith.constant 128 : i32
      %mul3A_81 = arith.muli %mul3A_71, %mul3A_80 : i32
      %add3A_82 = arith.addi %mul3A_2, %mul3A_81 : i32
      %jit3A = arith.constant 1024 : i32
      %div3A = arith.divsi %add3A_82, %jit3A : i32
      %sign3A = arith.constant 0 : i32
      %sign3A_83 = arith.cmpi sgt, %add3A_82, %sign3A : i32
      %sign3A_84 = arith.extui %sign3A_83 : i1 to i32
      %sign3A_85 = arith.constant 0 : i32
      %sign3A_86 = arith.cmpi slt, %add3A_82, %sign3A_85 : i32
      %sign3A_87 = arith.extui %sign3A_86 : i1 to i32
      %sign3A_88 = arith.subi %sign3A_84, %sign3A_87 : i32
      %sign3A_89 = arith.constant 0 : i32
      %sign3A_90 = arith.cmpi sgt, %jit3A, %sign3A_89 : i32
      %sign3A_91 = arith.extui %sign3A_90 : i1 to i32
      %sign3A_92 = arith.constant 0 : i32
      %sign3A_93 = arith.cmpi slt, %jit3A, %sign3A_92 : i32
      %sign3A_94 = arith.extui %sign3A_93 : i1 to i32
      %sign3A_95 = arith.subi %sign3A_91, %sign3A_94 : i32
      %ne3A = arith.cmpi ne, %sign3A_88, %sign3A_95 : i32
      %rem3A = arith.remsi %add3A_82, %jit3A : i32
      %ne3A_96 = arith.constant 0 : i32
      %ne3A_97 = arith.cmpi ne, %rem3A, %ne3A_96 : i32
      %and3A = arith.andi %ne3A, %ne3A_97 : i1
      %sub3A = arith.constant 1 : i32
      %sub3A_98 = arith.subi %div3A, %sub3A : i32
      %select_n3A = arith.select %and3A, %sub3A_98, %div3A : i32
      %jit3A_99 = arith.constant 1024 : i32
      %eq3A = arith.constant 0 : i32
      %eq3A_100 = arith.cmpi eq, %jit3A_99, %eq3A : i32
      %jit3A_101 = arith.constant 1 : i32
      %select_n3A_102 = arith.select %eq3A_100, %jit3A_101, %jit3A_99 : i32
      %rem3A_103 = arith.remsi %add3A_82, %select_n3A_102 : i32
      %ne3A_104 = arith.constant 0 : i32
      %ne3A_105 = arith.cmpi ne, %rem3A_103, %ne3A_104 : i32
      %lt3A = arith.constant 0 : i32
      %lt3A_106 = arith.cmpi slt, %rem3A_103, %lt3A : i32
      %lt3A_107 = arith.constant 0 : i32
      %lt3A_108 = arith.cmpi slt, %select_n3A_102, %lt3A_107 : i32
      %ne3A_109 = arith.xori %lt3A_106, %lt3A_108 : i1
      %and3A_110 = arith.andi %ne3A_109, %ne3A_105 : i1
      %add3A_111 = arith.addi %rem3A_103, %select_n3A_102 : i32
      %select_n3A_112 = arith.select %and3A_110, %add3A_111, %rem3A_103 : i32
      %multiple_of3A = tpu.assume_multiple %select_n3A_112, 128 : i32
      %jit3A_113 = arith.constant 8 : i32
      %div3A_114 = arith.divsi %select_n3A, %jit3A_113 : i32
      %sign3A_115 = arith.constant 0 : i32
      %sign3A_116 = arith.cmpi sgt, %select_n3A, %sign3A_115 : i32
      %sign3A_117 = arith.extui %sign3A_116 : i1 to i32
      %sign3A_118 = arith.constant 0 : i32
      %sign3A_119 = arith.cmpi slt, %select_n3A, %sign3A_118 : i32
      %sign3A_120 = arith.extui %sign3A_119 : i1 to i32
      %sign3A_121 = arith.subi %sign3A_117, %sign3A_120 : i32
      %sign3A_122 = arith.constant 0 : i32
      %sign3A_123 = arith.cmpi sgt, %jit3A_113, %sign3A_122 : i32
      %sign3A_124 = arith.extui %sign3A_123 : i1 to i32
      %sign3A_125 = arith.constant 0 : i32
      %sign3A_126 = arith.cmpi slt, %jit3A_113, %sign3A_125 : i32
      %sign3A_127 = arith.extui %sign3A_126 : i1 to i32
      %sign3A_128 = arith.subi %sign3A_124, %sign3A_127 : i32
      %ne3A_129 = arith.cmpi ne, %sign3A_121, %sign3A_128 : i32
      %rem3A_130 = arith.remsi %select_n3A, %jit3A_113 : i32
      %ne3A_131 = arith.constant 0 : i32
      %ne3A_132 = arith.cmpi ne, %rem3A_130, %ne3A_131 : i32
      %and3A_133 = arith.andi %ne3A_129, %ne3A_132 : i1
      %sub3A_134 = arith.constant 1 : i32
      %sub3A_135 = arith.subi %div3A_114, %sub3A_134 : i32
      %select_n3A_136 = arith.select %and3A_133, %sub3A_135, %div3A_114 : i32
      %jit3A_137 = arith.constant 128 : i32
      %div3A_138 = arith.divsi %multiple_of3A, %jit3A_137 : i32
      %sign3A_139 = arith.constant 0 : i32
      %sign3A_140 = arith.cmpi sgt, %multiple_of3A, %sign3A_139 : i32
      %sign3A_141 = arith.extui %sign3A_140 : i1 to i32
      %sign3A_142 = arith.constant 0 : i32
      %sign3A_143 = arith.cmpi slt, %multiple_of3A, %sign3A_142 : i32
      %sign3A_144 = arith.extui %sign3A_143 : i1 to i32
      %sign3A_145 = arith.subi %sign3A_141, %sign3A_144 : i32
      %sign3A_146 = arith.constant 0 : i32
      %sign3A_147 = arith.cmpi sgt, %jit3A_137, %sign3A_146 : i32
      %sign3A_148 = arith.extui %sign3A_147 : i1 to i32
      %sign3A_149 = arith.constant 0 : i32
      %sign3A_150 = arith.cmpi slt, %jit3A_137, %sign3A_149 : i32
      %sign3A_151 = arith.extui %sign3A_150 : i1 to i32
      %sign3A_152 = arith.subi %sign3A_148, %sign3A_151 : i32
      %ne3A_153 = arith.cmpi ne, %sign3A_145, %sign3A_152 : i32
      %rem3A_154 = arith.remsi %multiple_of3A, %jit3A_137 : i32
      %ne3A_155 = arith.constant 0 : i32
      %ne3A_156 = arith.cmpi ne, %rem3A_154, %ne3A_155 : i32
      %and3A_157 = arith.andi %ne3A_153, %ne3A_156 : i1
      %sub3A_158 = arith.constant 1 : i32
      %sub3A_159 = arith.subi %div3A_138, %sub3A_158 : i32
      %select_n3A_160 = arith.select %and3A_157, %sub3A_159, %div3A_138 : i32
      %jit3A_161 = arith.constant 8 : i32
      %eq3A_162 = arith.constant 0 : i32
      %eq3A_163 = arith.cmpi eq, %jit3A_161, %eq3A_162 : i32
      %jit3A_164 = arith.constant 1 : i32
      %select_n3A_165 = arith.select %eq3A_163, %jit3A_164, %jit3A_161 : i32
      %rem3A_166 = arith.remsi %select_n3A, %select_n3A_165 : i32
      %ne3A_167 = arith.constant 0 : i32
      %ne3A_168 = arith.cmpi ne, %rem3A_166, %ne3A_167 : i32
      %lt3A_169 = arith.constant 0 : i32
      %lt3A_170 = arith.cmpi slt, %rem3A_166, %lt3A_169 : i32
      %lt3A_171 = arith.constant 0 : i32
      %lt3A_172 = arith.cmpi slt, %select_n3A_165, %lt3A_171 : i32
      %ne3A_173 = arith.xori %lt3A_170, %lt3A_172 : i1
      %and3A_174 = arith.andi %ne3A_173, %ne3A_168 : i1
      %add3A_175 = arith.addi %rem3A_166, %select_n3A_165 : i32
      %select_n3A_176 = arith.select %and3A_174, %add3A_175, %rem3A_166 : i32
      %ge3A = arith.constant 2 : i32
      %ge3A_177 = arith.cmpi sge, %mul3A_71, %ge3A : i32
      %convert_element_type3A = arith.extui %ge3A_177 : i1 to i32
      %cond3A = arith.constant 0 : i32
      %cond3A_178 = arith.cmpi ne, %convert_element_type3A, %cond3A : i32
      scf.if %cond3A_178 {
        %dma_wait3A_352 = arith.constant 0 : i32
        %dma_wait3A_353 = arith.constant 0 : i32
        %dma_wait3A_354 = tpu.memref_slice %arg16[%dma_wait3A_352, %dma_wait3A_353] : memref<138x129xf32, #tpu.memory_space<vmem>> -> memref<138x128xf32, #tpu.memory_space<vmem>>
        %dma_wait3A_355 = arith.constant 0 : i32
        %dma_wait3A_356 = arith.constant 0 : i32
        %dma_wait3A_357 = tpu.memref_slice %arg8[%dma_wait3A_355, %select_n3A_136, %select_n3A_160, %select_n3A_176, %dma_wait3A_356] : memref<138x25x8x8x128xf32, #tpu.memory_space<hbm>> -> memref<138x1x1x1x128xf32, #tpu.memory_space<hbm>>
        %dma_wait3A_358 = tpu.memref_squeeze %dma_wait3A_357 : memref<138x1x1x1x128xf32, #tpu.memory_space<hbm>> -> memref<138x128xf32, #tpu.memory_space<hbm>>
        %dma_wait3A_359 = arith.constant 0 : i32
        %dma_wait3A_360 = arith.constant 0 : i32
        %dma_wait3A_361 = tpu.memref_slice %arg8[%dma_wait3A_359, %select_n3A_136, %select_n3A_160, %select_n3A_176, %dma_wait3A_360] : memref<138x25x8x8x128xf32, #tpu.memory_space<hbm>> -> memref<138x1x1x1x128xf32, #tpu.memory_space<hbm>>
        %dma_wait3A_362 = tpu.memref_squeeze %dma_wait3A_361 : memref<138x1x1x1x128xf32, #tpu.memory_space<hbm>> -> memref<138x128xf32, #tpu.memory_space<hbm>>
        %dma_wait3A_363 = arith.constant 0 : i32
        %dma_wait3A_364 = arith.constant 0 : i32
        %dma_wait3A_365 = tpu.memref_slice %arg16[%dma_wait3A_363, %dma_wait3A_364] : memref<138x129xf32, #tpu.memory_space<vmem>> -> memref<138x128xf32, #tpu.memory_space<vmem>>
        tpu.wait_dma2 semaphore(%arg20 : memref<!tpu.dma_semaphore, #tpu.memory_space<semaphore_mem>>) src(%dma_wait3A_365 : memref<138x128xf32, #tpu.memory_space<vmem>>) dst(%dma_wait3A_362 : memref<138x128xf32, #tpu.memory_space<hbm>>)
      } else {
      }
      %parallel_loop3A = arith.constant 0 : i32
      %parallel_loop3A_179 = arith.constant 8 : i32
      %parallel_loop3A_180 = arith.constant 1 : i32
      scf.for %parallel_loop3A_352 = %parallel_loop3A to %parallel_loop3A_179 step %parallel_loop3A_180  : i32 {
        %parallel_loop3A_353 = arith.constant 128 : i32
        %parallel_loop3A_354 = arith.muli %mul3A_71, %parallel_loop3A_353 : i32
        %parallel_loop3A_355 = arith.constant 16 : i32
        %parallel_loop3A_356 = arith.muli %parallel_loop3A_352, %parallel_loop3A_355 : i32
        %parallel_loop3A_357 = arith.addi %parallel_loop3A_354, %parallel_loop3A_356 : i32
        %parallel_loop3A_358 = arith.index_cast %parallel_loop3A_357 : i32 to index
        %parallel_loop3A_359 = tpu.vector_load %arg10[%parallel_loop3A_358] {strides = array<i32>} : memref<6400xi32, #tpu.memory_space<vmem>>, vector<16xi32>,
        %parallel_loop3A_360 = arith.constant 5 : i32
        %parallel_loop3A_361 = vector.broadcast %parallel_loop3A_360 : i32 to vector<16xi32>
        %parallel_loop3A_362 = arith.muli %parallel_loop3A_359, %parallel_loop3A_361 : vector<16xi32>
        %parallel_loop3A_363 = arith.constant 128 : i32
        %parallel_loop3A_364 = arith.muli %mul3A_71, %parallel_loop3A_363 : i32
        %parallel_loop3A_365 = arith.constant 16 : i32
        %parallel_loop3A_366 = arith.muli %parallel_loop3A_352, %parallel_loop3A_365 : i32
        %parallel_loop3A_367 = arith.addi %parallel_loop3A_364, %parallel_loop3A_366 : i32
        %parallel_loop3A_368 = arith.index_cast %parallel_loop3A_367 : i32 to index
        %parallel_loop3A_369 = tpu.vector_load %arg11[%parallel_loop3A_368] {strides = array<i32>} : memref<6400xi32, #tpu.memory_space<vmem>>, vector<16xi32>,
        %parallel_loop3A_370 = arith.constant 5 : i32
        %parallel_loop3A_371 = vector.broadcast %parallel_loop3A_370 : i32 to vector<16xi32>
        %parallel_loop3A_372 = arith.muli %parallel_loop3A_369, %parallel_loop3A_371 : vector<16xi32>
        %parallel_loop3A_373 = arith.constant 0 : i32
        %parallel_loop3A_374 = vector.broadcast %parallel_loop3A_373 : i32 to vector<16xi32>
        %parallel_loop3A_375 = arith.addi %parallel_loop3A_362, %parallel_loop3A_374 : vector<16xi32>
        %parallel_loop3A_376 = tpu.vector_load_idx %arg12[%parallel_loop3A_375] : memref<2000xf32, #tpu.memory_space<vmem>>[vector<16xi32>], vector<16xf32>,
        %parallel_loop3A_377 = arith.constant 16 : i32
        %parallel_loop3A_378 = arith.muli %parallel_loop3A_352, %parallel_loop3A_377 : i32
        %parallel_loop3A_379 = arith.constant 128 : i32
        %parallel_loop3A_380 = arith.index_cast %parallel_loop3A_379 : i32 to index
        %parallel_loop3A_381 = arith.index_cast %parallel_loop3A_378 : i32 to index
        %parallel_loop3A_382 = tpu.vector_load %arg16[%parallel_loop3A_380, %parallel_loop3A_381] {strides = array<i32>} : memref<138x129xf32, #tpu.memory_space<vmem>>, vector<16xf32>,
        tpu.vector_store %arg16[%parallel_loop3A_380, %parallel_loop3A_381], %parallel_loop3A_376 {strides = array<i32>} : memref<138x129xf32, #tpu.memory_space<vmem>>, vector<16xf32>,
        %parallel_loop3A_383 = arith.constant 0 : i32
        %parallel_loop3A_384 = vector.broadcast %parallel_loop3A_383 : i32 to vector<16xi32>
        %parallel_loop3A_385 = arith.addi %parallel_loop3A_372, %parallel_loop3A_384 : vector<16xi32>
        %parallel_loop3A_386 = tpu.vector_load_idx %arg13[%parallel_loop3A_385] : memref<2000xf32, #tpu.memory_space<vmem>>[vector<16xi32>], vector<16xf32>,
        %parallel_loop3A_387 = arith.constant 16 : i32
        %parallel_loop3A_388 = arith.muli %parallel_loop3A_352, %parallel_loop3A_387 : i32
        %parallel_loop3A_389 = arith.constant 133 : i32
        %parallel_loop3A_390 = arith.index_cast %parallel_loop3A_389 : i32 to index
        %parallel_loop3A_391 = arith.index_cast %parallel_loop3A_388 : i32 to index
        %parallel_loop3A_392 = tpu.vector_load %arg16[%parallel_loop3A_390, %parallel_loop3A_391] {strides = array<i32>} : memref<138x129xf32, #tpu.memory_space<vmem>>, vector<16xf32>,
        tpu.vector_store %arg16[%parallel_loop3A_390, %parallel_loop3A_391], %parallel_loop3A_386 {strides = array<i32>} : memref<138x129xf32, #tpu.memory_space<vmem>>, vector<16xf32>,
        %parallel_loop3A_393 = arith.constant 1 : i32
        %parallel_loop3A_394 = vector.broadcast %parallel_loop3A_393 : i32 to vector<16xi32>
        %parallel_loop3A_395 = arith.addi %parallel_loop3A_362, %parallel_loop3A_394 : vector<16xi32>
        %parallel_loop3A_396 = tpu.vector_load_idx %arg12[%parallel_loop3A_395] : memref<2000xf32, #tpu.memory_space<vmem>>[vector<16xi32>], vector<16xf32>,
        %parallel_loop3A_397 = arith.constant 16 : i32
        %parallel_loop3A_398 = arith.muli %parallel_loop3A_352, %parallel_loop3A_397 : i32
        %parallel_loop3A_399 = arith.constant 129 : i32
        %parallel_loop3A_400 = arith.index_cast %parallel_loop3A_399 : i32 to index
        %parallel_loop3A_401 = arith.index_cast %parallel_loop3A_398 : i32 to index
        %parallel_loop3A_402 = tpu.vector_load %arg16[%parallel_loop3A_400, %parallel_loop3A_401] {strides = array<i32>} : memref<138x129xf32, #tpu.memory_space<vmem>>, vector<16xf32>,
        tpu.vector_store %arg16[%parallel_loop3A_400, %parallel_loop3A_401], %parallel_loop3A_396 {strides = array<i32>} : memref<138x129xf32, #tpu.memory_space<vmem>>, vector<16xf32>,
        %parallel_loop3A_403 = arith.constant 1 : i32
        %parallel_loop3A_404 = vector.broadcast %parallel_loop3A_403 : i32 to vector<16xi32>
        %parallel_loop3A_405 = arith.addi %parallel_loop3A_372, %parallel_loop3A_404 : vector<16xi32>
        %parallel_loop3A_406 = tpu.vector_load_idx %arg13[%parallel_loop3A_405] : memref<2000xf32, #tpu.memory_space<vmem>>[vector<16xi32>], vector<16xf32>,
        %parallel_loop3A_407 = arith.constant 16 : i32
        %parallel_loop3A_408 = arith.muli %parallel_loop3A_352, %parallel_loop3A_407 : i32
        %parallel_loop3A_409 = arith.constant 134 : i32
        %parallel_loop3A_410 = arith.index_cast %parallel_loop3A_409 : i32 to index
        %parallel_loop3A_411 = arith.index_cast %parallel_loop3A_408 : i32 to index
        %parallel_loop3A_412 = tpu.vector_load %arg16[%parallel_loop3A_410, %parallel_loop3A_411] {strides = array<i32>} : memref<138x129xf32, #tpu.memory_space<vmem>>, vector<16xf32>,
        tpu.vector_store %arg16[%parallel_loop3A_410, %parallel_loop3A_411], %parallel_loop3A_406 {strides = array<i32>} : memref<138x129xf32, #tpu.memory_space<vmem>>, vector<16xf32>,
        %parallel_loop3A_413 = arith.constant 2 : i32
        %parallel_loop3A_414 = vector.broadcast %parallel_loop3A_413 : i32 to vector<16xi32>
        %parallel_loop3A_415 = arith.addi %parallel_loop3A_362, %parallel_loop3A_414 : vector<16xi32>
        %parallel_loop3A_416 = tpu.vector_load_idx %arg12[%parallel_loop3A_415] : memref<2000xf32, #tpu.memory_space<vmem>>[vector<16xi32>], vector<16xf32>,
        %parallel_loop3A_417 = arith.constant 16 : i32
        %parallel_loop3A_418 = arith.muli %parallel_loop3A_352, %parallel_loop3A_417 : i32
        %parallel_loop3A_419 = arith.constant 130 : i32
        %parallel_loop3A_420 = arith.index_cast %parallel_loop3A_419 : i32 to index
        %parallel_loop3A_421 = arith.index_cast %parallel_loop3A_418 : i32 to index
        %parallel_loop3A_422 = tpu.vector_load %arg16[%parallel_loop3A_420, %parallel_loop3A_421] {strides = array<i32>} : memref<138x129xf32, #tpu.memory_space<vmem>>, vector<16xf32>,
        tpu.vector_store %arg16[%parallel_loop3A_420, %parallel_loop3A_421], %parallel_loop3A_416 {strides = array<i32>} : memref<138x129xf32, #tpu.memory_space<vmem>>, vector<16xf32>,
        %parallel_loop3A_423 = arith.constant 2 : i32
        %parallel_loop3A_424 = vector.broadcast %parallel_loop3A_423 : i32 to vector<16xi32>
        %parallel_loop3A_425 = arith.addi %parallel_loop3A_372, %parallel_loop3A_424 : vector<16xi32>
        %parallel_loop3A_426 = tpu.vector_load_idx %arg13[%parallel_loop3A_425] : memref<2000xf32, #tpu.memory_space<vmem>>[vector<16xi32>], vector<16xf32>,
        %parallel_loop3A_427 = arith.constant 16 : i32
        %parallel_loop3A_428 = arith.muli %parallel_loop3A_352, %parallel_loop3A_427 : i32
        %parallel_loop3A_429 = arith.constant 135 : i32
        %parallel_loop3A_430 = arith.index_cast %parallel_loop3A_429 : i32 to index
        %parallel_loop3A_431 = arith.index_cast %parallel_loop3A_428 : i32 to index
        %parallel_loop3A_432 = tpu.vector_load %arg16[%parallel_loop3A_430, %parallel_loop3A_431] {strides = array<i32>} : memref<138x129xf32, #tpu.memory_space<vmem>>, vector<16xf32>,
        tpu.vector_store %arg16[%parallel_loop3A_430, %parallel_loop3A_431], %parallel_loop3A_426 {strides = array<i32>} : memref<138x129xf32, #tpu.memory_space<vmem>>, vector<16xf32>,
        %parallel_loop3A_433 = arith.constant 3 : i32
        %parallel_loop3A_434 = vector.broadcast %parallel_loop3A_433 : i32 to vector<16xi32>
        %parallel_loop3A_435 = arith.addi %parallel_loop3A_362, %parallel_loop3A_434 : vector<16xi32>
        %parallel_loop3A_436 = tpu.vector_load_idx %arg12[%parallel_loop3A_435] : memref<2000xf32, #tpu.memory_space<vmem>>[vector<16xi32>], vector<16xf32>,
        %parallel_loop3A_437 = arith.constant 16 : i32
        %parallel_loop3A_438 = arith.muli %parallel_loop3A_352, %parallel_loop3A_437 : i32
        %parallel_loop3A_439 = arith.constant 131 : i32
        %parallel_loop3A_440 = arith.index_cast %parallel_loop3A_439 : i32 to index
        %parallel_loop3A_441 = arith.index_cast %parallel_loop3A_438 : i32 to index
        %parallel_loop3A_442 = tpu.vector_load %arg16[%parallel_loop3A_440, %parallel_loop3A_441] {strides = array<i32>} : memref<138x129xf32, #tpu.memory_space<vmem>>, vector<16xf32>,
        tpu.vector_store %arg16[%parallel_loop3A_440, %parallel_loop3A_441], %parallel_loop3A_436 {strides = array<i32>} : memref<138x129xf32, #tpu.memory_space<vmem>>, vector<16xf32>,
        %parallel_loop3A_443 = arith.constant 3 : i32
        %parallel_loop3A_444 = vector.broadcast %parallel_loop3A_443 : i32 to vector<16xi32>
        %parallel_loop3A_445 = arith.addi %parallel_loop3A_372, %parallel_loop3A_444 : vector<16xi32>
        %parallel_loop3A_446 = tpu.vector_load_idx %arg13[%parallel_loop3A_445] : memref<2000xf32, #tpu.memory_space<vmem>>[vector<16xi32>], vector<16xf32>,
        %parallel_loop3A_447 = arith.constant 16 : i32
        %parallel_loop3A_448 = arith.muli %parallel_loop3A_352, %parallel_loop3A_447 : i32
        %parallel_loop3A_449 = arith.constant 136 : i32
        %parallel_loop3A_450 = arith.index_cast %parallel_loop3A_449 : i32 to index
        %parallel_loop3A_451 = arith.index_cast %parallel_loop3A_448 : i32 to index
        %parallel_loop3A_452 = tpu.vector_load %arg16[%parallel_loop3A_450, %parallel_loop3A_451] {strides = array<i32>} : memref<138x129xf32, #tpu.memory_space<vmem>>, vector<16xf32>,
        tpu.vector_store %arg16[%parallel_loop3A_450, %parallel_loop3A_451], %parallel_loop3A_446 {strides = array<i32>} : memref<138x129xf32, #tpu.memory_space<vmem>>, vector<16xf32>,
        %parallel_loop3A_453 = arith.constant 4 : i32
        %parallel_loop3A_454 = vector.broadcast %parallel_loop3A_453 : i32 to vector<16xi32>
        %parallel_loop3A_455 = arith.addi %parallel_loop3A_362, %parallel_loop3A_454 : vector<16xi32>
        %parallel_loop3A_456 = tpu.vector_load_idx %arg12[%parallel_loop3A_455] : memref<2000xf32, #tpu.memory_space<vmem>>[vector<16xi32>], vector<16xf32>,
        %parallel_loop3A_457 = arith.constant 16 : i32
        %parallel_loop3A_458 = arith.muli %parallel_loop3A_352, %parallel_loop3A_457 : i32
        %parallel_loop3A_459 = arith.constant 132 : i32
        %parallel_loop3A_460 = arith.index_cast %parallel_loop3A_459 : i32 to index
        %parallel_loop3A_461 = arith.index_cast %parallel_loop3A_458 : i32 to index
        %parallel_loop3A_462 = tpu.vector_load %arg16[%parallel_loop3A_460, %parallel_loop3A_461] {strides = array<i32>} : memref<138x129xf32, #tpu.memory_space<vmem>>, vector<16xf32>,
        tpu.vector_store %arg16[%parallel_loop3A_460, %parallel_loop3A_461], %parallel_loop3A_456 {strides = array<i32>} : memref<138x129xf32, #tpu.memory_space<vmem>>, vector<16xf32>,
        %parallel_loop3A_463 = arith.constant 4 : i32
        %parallel_loop3A_464 = vector.broadcast %parallel_loop3A_463 : i32 to vector<16xi32>
        %parallel_loop3A_465 = arith.addi %parallel_loop3A_372, %parallel_loop3A_464 : vector<16xi32>
        %parallel_loop3A_466 = tpu.vector_load_idx %arg13[%parallel_loop3A_465] : memref<2000xf32, #tpu.memory_space<vmem>>[vector<16xi32>], vector<16xf32>,
        %parallel_loop3A_467 = arith.constant 16 : i32
        %parallel_loop3A_468 = arith.muli %parallel_loop3A_352, %parallel_loop3A_467 : i32
        %parallel_loop3A_469 = arith.constant 137 : i32
        %parallel_loop3A_470 = arith.index_cast %parallel_loop3A_469 : i32 to index
        %parallel_loop3A_471 = arith.index_cast %parallel_loop3A_468 : i32 to index
        %parallel_loop3A_472 = tpu.vector_load %arg16[%parallel_loop3A_470, %parallel_loop3A_471] {strides = array<i32>} : memref<138x129xf32, #tpu.memory_space<vmem>>, vector<16xf32>,
        tpu.vector_store %arg16[%parallel_loop3A_470, %parallel_loop3A_471], %parallel_loop3A_466 {strides = array<i32>} : memref<138x129xf32, #tpu.memory_space<vmem>>, vector<16xf32>,
      } {sc.loop_unroll_factor = 2 : i64, sc.parallel_access}
      %mul3A_181 = arith.constant 128 : i32
      %mul3A_182 = arith.muli %mul3A_71, %mul3A_181 : i32
      %dma_wait3A_183 = tpu.memref_slice %arg9[%mul3A_182] : memref<6400xi32, #tpu.memory_space<vmem>> -> memref<128xi32, #tpu.memory_space<vmem>>
      %dma_wait3A_184 = arith.constant 0 : i32
      %dma_wait3A_185 = arith.constant 0 : i32
      %dma_wait3A_186 = tpu.memref_slice %arg5[%dma_wait3A_184, %dma_wait3A_185] : memref<100000x128xf32, #tpu.memory_space<hbm>> -> memref<100000x128xf32, #tpu.memory_space<hbm>>
      tpu.wait_indirect_dma semaphore(%arg18 : memref<!tpu.dma_semaphore, #tpu.memory_space<semaphore_mem>>) src(%dma_wait3A_186 : memref<100000x128xf32, #tpu.memory_space<hbm>>) dst(%arg14 : memref<128x128xf32, #tpu.memory_space<vmem>>)
      %parallel_loop3A_187 = arith.constant 0 : i32
      %parallel_loop3A_188 = arith.constant 128 : i32
      %parallel_loop3A_189 = arith.constant 1 : i32
      scf.for %parallel_loop3A_352 = %parallel_loop3A_187 to %parallel_loop3A_188 step %parallel_loop3A_189  : i32 {
        %parallel_loop3A_353 = vector.broadcast %parallel_loop3A_352 : i32 to vector<16xi32>
        %parallel_loop3A_354 = arith.index_cast %parallel_loop3A_352 : i32 to index
        %parallel_loop3A_355 = arith.constant 0 : index
        %parallel_loop3A_356 = tpu.vector_load %arg14[%parallel_loop3A_354, %parallel_loop3A_355] {strides = array<i32>} : memref<128x128xf32, #tpu.memory_space<vmem>>, vector<16xf32>,
        tpu.vector_store_idx %arg16[%add3A_5, %parallel_loop3A_353], %parallel_loop3A_356 : memref<138x129xf32, #tpu.memory_space<vmem>>[vector<16xi32>, vector<16xi32>], vector<16xf32>,
        %parallel_loop3A_357 = arith.index_cast %parallel_loop3A_352 : i32 to index
        %parallel_loop3A_358 = arith.constant 16 : index
        %parallel_loop3A_359 = tpu.vector_load %arg14[%parallel_loop3A_357, %parallel_loop3A_358] {strides = array<i32>} : memref<128x128xf32, #tpu.memory_space<vmem>>, vector<16xf32>,
        tpu.vector_store_idx %arg16[%add3A_8, %parallel_loop3A_353], %parallel_loop3A_359 : memref<138x129xf32, #tpu.memory_space<vmem>>[vector<16xi32>, vector<16xi32>], vector<16xf32>,
        %parallel_loop3A_360 = arith.index_cast %parallel_loop3A_352 : i32 to index
        %parallel_loop3A_361 = arith.constant 32 : index
        %parallel_loop3A_362 = tpu.vector_load %arg14[%parallel_loop3A_360, %parallel_loop3A_361] {strides = array<i32>} : memref<128x128xf32, #tpu.memory_space<vmem>>, vector<16xf32>,
        tpu.vector_store_idx %arg16[%add3A_11, %parallel_loop3A_353], %parallel_loop3A_362 : memref<138x129xf32, #tpu.memory_space<vmem>>[vector<16xi32>, vector<16xi32>], vector<16xf32>,
        %parallel_loop3A_363 = arith.index_cast %parallel_loop3A_352 : i32 to index
        %parallel_loop3A_364 = arith.constant 48 : index
        %parallel_loop3A_365 = tpu.vector_load %arg14[%parallel_loop3A_363, %parallel_loop3A_364] {strides = array<i32>} : memref<128x128xf32, #tpu.memory_space<vmem>>, vector<16xf32>,
        tpu.vector_store_idx %arg16[%add3A_14, %parallel_loop3A_353], %parallel_loop3A_365 : memref<138x129xf32, #tpu.memory_space<vmem>>[vector<16xi32>, vector<16xi32>], vector<16xf32>,
        %parallel_loop3A_366 = arith.index_cast %parallel_loop3A_352 : i32 to index
        %parallel_loop3A_367 = arith.constant 64 : index
        %parallel_loop3A_368 = tpu.vector_load %arg14[%parallel_loop3A_366, %parallel_loop3A_367] {strides = array<i32>} : memref<128x128xf32, #tpu.memory_space<vmem>>, vector<16xf32>,
        tpu.vector_store_idx %arg16[%add3A_17, %parallel_loop3A_353], %parallel_loop3A_368 : memref<138x129xf32, #tpu.memory_space<vmem>>[vector<16xi32>, vector<16xi32>], vector<16xf32>,
        %parallel_loop3A_369 = arith.index_cast %parallel_loop3A_352 : i32 to index
        %parallel_loop3A_370 = arith.constant 80 : index
        %parallel_loop3A_371 = tpu.vector_load %arg14[%parallel_loop3A_369, %parallel_loop3A_370] {strides = array<i32>} : memref<128x128xf32, #tpu.memory_space<vmem>>, vector<16xf32>,
        tpu.vector_store_idx %arg16[%add3A_20, %parallel_loop3A_353], %parallel_loop3A_371 : memref<138x129xf32, #tpu.memory_space<vmem>>[vector<16xi32>, vector<16xi32>], vector<16xf32>,
        %parallel_loop3A_372 = arith.index_cast %parallel_loop3A_352 : i32 to index
        %parallel_loop3A_373 = arith.constant 96 : index
        %parallel_loop3A_374 = tpu.vector_load %arg14[%parallel_loop3A_372, %parallel_loop3A_373] {strides = array<i32>} : memref<128x128xf32, #tpu.memory_space<vmem>>, vector<16xf32>,
        tpu.vector_store_idx %arg16[%add3A_23, %parallel_loop3A_353], %parallel_loop3A_374 : memref<138x129xf32, #tpu.memory_space<vmem>>[vector<16xi32>, vector<16xi32>], vector<16xf32>,
        %parallel_loop3A_375 = arith.index_cast %parallel_loop3A_352 : i32 to index
        %parallel_loop3A_376 = arith.constant 112 : index
        %parallel_loop3A_377 = tpu.vector_load %arg14[%parallel_loop3A_375, %parallel_loop3A_376] {strides = array<i32>} : memref<128x128xf32, #tpu.memory_space<vmem>>, vector<16xf32>,
        tpu.vector_store_idx %arg16[%add3A_26, %parallel_loop3A_353], %parallel_loop3A_377 : memref<138x129xf32, #tpu.memory_space<vmem>>[vector<16xi32>, vector<16xi32>], vector<16xf32>,
      } {sc.loop_unroll_factor = 4 : i64, sc.parallel_access}
      %dma_start3A_190 = arith.constant 0 : i32
      %dma_start3A_191 = arith.constant 0 : i32
      %dma_start3A_192 = tpu.memref_slice %arg16[%dma_start3A_190, %dma_start3A_191] : memref<138x129xf32, #tpu.memory_space<vmem>> -> memref<138x128xf32, #tpu.memory_space<vmem>>
      %dma_start3A_193 = arith.constant 0 : i32
      %dma_start3A_194 = arith.constant 0 : i32
      %dma_start3A_195 = tpu.memref_slice %arg8[%dma_start3A_193, %select_n3A_136, %select_n3A_160, %select_n3A_176, %dma_start3A_194] : memref<138x25x8x8x128xf32, #tpu.memory_space<hbm>> -> memref<138x1x1x1x128xf32, #tpu.memory_space<hbm>>
      %dma_start3A_196 = tpu.memref_squeeze %dma_start3A_195 : memref<138x1x1x1x128xf32, #tpu.memory_space<hbm>> -> memref<138x128xf32, #tpu.memory_space<hbm>>
      %dma_start3A_197 = arith.constant 0 : i32
      %dma_start3A_198 = arith.constant 0 : i32
      %dma_start3A_199 = tpu.memref_slice %arg8[%dma_start3A_197, %select_n3A_136, %select_n3A_160, %select_n3A_176, %dma_start3A_198] : memref<138x25x8x8x128xf32, #tpu.memory_space<hbm>> -> memref<138x1x1x1x128xf32, #tpu.memory_space<hbm>>
      %dma_start3A_200 = tpu.memref_squeeze %dma_start3A_199 : memref<138x1x1x1x128xf32, #tpu.memory_space<hbm>> -> memref<138x128xf32, #tpu.memory_space<hbm>>
      %dma_start3A_201 = arith.constant 0 : i32
      %dma_start3A_202 = arith.constant 0 : i32
      %dma_start3A_203 = tpu.memref_slice %arg16[%dma_start3A_201, %dma_start3A_202] : memref<138x129xf32, #tpu.memory_space<vmem>> -> memref<138x128xf32, #tpu.memory_space<vmem>>
      tpu.enqueue_dma source(%dma_start3A_203 : memref<138x128xf32, #tpu.memory_space<vmem>>) target(%dma_start3A_200 : memref<138x128xf32, #tpu.memory_space<hbm>>) target_semaphore(%arg20 : memref<!tpu.dma_semaphore, #tpu.memory_space<semaphore_mem>>)
      %add3A_204 = arith.constant 2 : i32
      %add3A_205 = arith.addi %mul3A_71, %add3A_204 : i32
      %lt3A_206 = arith.constant 50 : i32
      %lt3A_207 = arith.cmpi slt, %add3A_205, %lt3A_206 : i32
      %convert_element_type3A_208 = arith.extui %lt3A_207 : i1 to i32
      %cond3A_209 = arith.constant 0 : i32
      %cond3A_210 = arith.cmpi ne, %convert_element_type3A_208, %cond3A_209 : i32
      scf.if %cond3A_210 {
        %add3A_352 = arith.constant 2 : i32
        %add3A_353 = arith.addi %mul3A_71, %add3A_352 : i32
        %mul3A_354 = arith.constant 128 : i32
        %mul3A_355 = arith.muli %add3A_353, %mul3A_354 : i32
        %dma_start3A_356 = tpu.memref_slice %arg9[%mul3A_355] : memref<6400xi32, #tpu.memory_space<vmem>> -> memref<128xi32, #tpu.memory_space<vmem>>
        %dma_start3A_357 = arith.constant 0 : i32
        %dma_start3A_358 = arith.constant 0 : i32
        %dma_start3A_359 = tpu.memref_slice %arg5[%dma_start3A_357, %dma_start3A_358] : memref<100000x128xf32, #tpu.memory_space<hbm>> -> memref<100000x128xf32, #tpu.memory_space<hbm>>
        tpu.enqueue_indirect_dma source(%dma_start3A_359 : memref<100000x128xf32, #tpu.memory_space<hbm>>) target(%arg14 : memref<128x128xf32, #tpu.memory_space<vmem>>) offsets(%dma_start3A_356 : memref<128xi32, #tpu.memory_space<vmem>>) semaphore(%arg18 : memref<!tpu.dma_semaphore, #tpu.memory_space<semaphore_mem>>)
      } else {
      }
      %add3A_211 = arith.constant 1 : i32
      %add3A_212 = arith.addi %mul3A_71, %add3A_211 : i32
      %mul3A_213 = arith.constant 128 : i32
      %mul3A_214 = arith.muli %add3A_212, %mul3A_213 : i32
      %add3A_215 = arith.addi %mul3A_2, %mul3A_214 : i32
      %jit3A_216 = arith.constant 1024 : i32
      %div3A_217 = arith.divsi %add3A_215, %jit3A_216 : i32
      %sign3A_218 = arith.constant 0 : i32
      %sign3A_219 = arith.cmpi sgt, %add3A_215, %sign3A_218 : i32
      %sign3A_220 = arith.extui %sign3A_219 : i1 to i32
      %sign3A_221 = arith.constant 0 : i32
      %sign3A_222 = arith.cmpi slt, %add3A_215, %sign3A_221 : i32
      %sign3A_223 = arith.extui %sign3A_222 : i1 to i32
      %sign3A_224 = arith.subi %sign3A_220, %sign3A_223 : i32
      %sign3A_225 = arith.constant 0 : i32
      %sign3A_226 = arith.cmpi sgt, %jit3A_216, %sign3A_225 : i32
      %sign3A_227 = arith.extui %sign3A_226 : i1 to i32
      %sign3A_228 = arith.constant 0 : i32
      %sign3A_229 = arith.cmpi slt, %jit3A_216, %sign3A_228 : i32
      %sign3A_230 = arith.extui %sign3A_229 : i1 to i32
      %sign3A_231 = arith.subi %sign3A_227, %sign3A_230 : i32
      %ne3A_232 = arith.cmpi ne, %sign3A_224, %sign3A_231 : i32
      %rem3A_233 = arith.remsi %add3A_215, %jit3A_216 : i32
      %ne3A_234 = arith.constant 0 : i32
      %ne3A_235 = arith.cmpi ne, %rem3A_233, %ne3A_234 : i32
      %and3A_236 = arith.andi %ne3A_232, %ne3A_235 : i1
      %sub3A_237 = arith.constant 1 : i32
      %sub3A_238 = arith.subi %div3A_217, %sub3A_237 : i32
      %select_n3A_239 = arith.select %and3A_236, %sub3A_238, %div3A_217 : i32
      %jit3A_240 = arith.constant 1024 : i32
      %eq3A_241 = arith.constant 0 : i32
      %eq3A_242 = arith.cmpi eq, %jit3A_240, %eq3A_241 : i32
      %jit3A_243 = arith.constant 1 : i32
      %select_n3A_244 = arith.select %eq3A_242, %jit3A_243, %jit3A_240 : i32
      %rem3A_245 = arith.remsi %add3A_215, %select_n3A_244 : i32
      %ne3A_246 = arith.constant 0 : i32
      %ne3A_247 = arith.cmpi ne, %rem3A_245, %ne3A_246 : i32
      %lt3A_248 = arith.constant 0 : i32
      %lt3A_249 = arith.cmpi slt, %rem3A_245, %lt3A_248 : i32
      %lt3A_250 = arith.constant 0 : i32
      %lt3A_251 = arith.cmpi slt, %select_n3A_244, %lt3A_250 : i32
      %ne3A_252 = arith.xori %lt3A_249, %lt3A_251 : i1
      %and3A_253 = arith.andi %ne3A_252, %ne3A_247 : i1
      %add3A_254 = arith.addi %rem3A_245, %select_n3A_244 : i32
      %select_n3A_255 = arith.select %and3A_253, %add3A_254, %rem3A_245 : i32
      %multiple_of3A_256 = tpu.assume_multiple %select_n3A_255, 128 : i32
      %jit3A_257 = arith.constant 8 : i32
      %div3A_258 = arith.divsi %select_n3A_239, %jit3A_257 : i32
      %sign3A_259 = arith.constant 0 : i32
      %sign3A_260 = arith.cmpi sgt, %select_n3A_239, %sign3A_259 : i32
      %sign3A_261 = arith.extui %sign3A_260 : i1 to i32
      %sign3A_262 = arith.constant 0 : i32
      %sign3A_263 = arith.cmpi slt, %select_n3A_239, %sign3A_262 : i32
      %sign3A_264 = arith.extui %sign3A_263 : i1 to i32
      %sign3A_265 = arith.subi %sign3A_261, %sign3A_264 : i32
      %sign3A_266 = arith.constant 0 : i32
      %sign3A_267 = arith.cmpi sgt, %jit3A_257, %sign3A_266 : i32
      %sign3A_268 = arith.extui %sign3A_267 : i1 to i32
      %sign3A_269 = arith.constant 0 : i32
      %sign3A_270 = arith.cmpi slt, %jit3A_257, %sign3A_269 : i32
      %sign3A_271 = arith.extui %sign3A_270 : i1 to i32
      %sign3A_272 = arith.subi %sign3A_268, %sign3A_271 : i32
      %ne3A_273 = arith.cmpi ne, %sign3A_265, %sign3A_272 : i32
      %rem3A_274 = arith.remsi %select_n3A_239, %jit3A_257 : i32
      %ne3A_275 = arith.constant 0 : i32
      %ne3A_276 = arith.cmpi ne, %rem3A_274, %ne3A_275 : i32
      %and3A_277 = arith.andi %ne3A_273, %ne3A_276 : i1
      %sub3A_278 = arith.constant 1 : i32
      %sub3A_279 = arith.subi %div3A_258, %sub3A_278 : i32
      %select_n3A_280 = arith.select %and3A_277, %sub3A_279, %div3A_258 : i32
      %jit3A_281 = arith.constant 128 : i32
      %div3A_282 = arith.divsi %multiple_of3A_256, %jit3A_281 : i32
      %sign3A_283 = arith.constant 0 : i32
      %sign3A_284 = arith.cmpi sgt, %multiple_of3A_256, %sign3A_283 : i32
      %sign3A_285 = arith.extui %sign3A_284 : i1 to i32
      %sign3A_286 = arith.constant 0 : i32
      %sign3A_287 = arith.cmpi slt, %multiple_of3A_256, %sign3A_286 : i32
      %sign3A_288 = arith.extui %sign3A_287 : i1 to i32
      %sign3A_289 = arith.subi %sign3A_285, %sign3A_288 : i32
      %sign3A_290 = arith.constant 0 : i32
      %sign3A_291 = arith.cmpi sgt, %jit3A_281, %sign3A_290 : i32
      %sign3A_292 = arith.extui %sign3A_291 : i1 to i32
      %sign3A_293 = arith.constant 0 : i32
      %sign3A_294 = arith.cmpi slt, %jit3A_281, %sign3A_293 : i32
      %sign3A_295 = arith.extui %sign3A_294 : i1 to i32
      %sign3A_296 = arith.subi %sign3A_292, %sign3A_295 : i32
      %ne3A_297 = arith.cmpi ne, %sign3A_289, %sign3A_296 : i32
      %rem3A_298 = arith.remsi %multiple_of3A_256, %jit3A_281 : i32
      %ne3A_299 = arith.constant 0 : i32
      %ne3A_300 = arith.cmpi ne, %rem3A_298, %ne3A_299 : i32
      %and3A_301 = arith.andi %ne3A_297, %ne3A_300 : i1
      %sub3A_302 = arith.constant 1 : i32
      %sub3A_303 = arith.subi %div3A_282, %sub3A_302 : i32
      %select_n3A_304 = arith.select %and3A_301, %sub3A_303, %div3A_282 : i32
      %jit3A_305 = arith.constant 8 : i32
      %eq3A_306 = arith.constant 0 : i32
      %eq3A_307 = arith.cmpi eq, %jit3A_305, %eq3A_306 : i32
      %jit3A_308 = arith.constant 1 : i32
      %select_n3A_309 = arith.select %eq3A_307, %jit3A_308, %jit3A_305 : i32
      %rem3A_310 = arith.remsi %select_n3A_239, %select_n3A_309 : i32
      %ne3A_311 = arith.constant 0 : i32
      %ne3A_312 = arith.cmpi ne, %rem3A_310, %ne3A_311 : i32
      %lt3A_313 = arith.constant 0 : i32
      %lt3A_314 = arith.cmpi slt, %rem3A_310, %lt3A_313 : i32
      %lt3A_315 = arith.constant 0 : i32
      %lt3A_316 = arith.cmpi slt, %select_n3A_309, %lt3A_315 : i32
      %ne3A_317 = arith.xori %lt3A_314, %lt3A_316 : i1
      %and3A_318 = arith.andi %ne3A_317, %ne3A_312 : i1
      %add3A_319 = arith.addi %rem3A_310, %select_n3A_309 : i32
      %select_n3A_320 = arith.select %and3A_318, %add3A_319, %rem3A_310 : i32
      %ge3A_321 = arith.constant 2 : i32
      %ge3A_322 = arith.cmpi sge, %add3A_212, %ge3A_321 : i32
      %convert_element_type3A_323 = arith.extui %ge3A_322 : i1 to i32
      %cond3A_324 = arith.constant 0 : i32
      %cond3A_325 = arith.cmpi ne, %convert_element_type3A_323, %cond3A_324 : i32
      scf.if %cond3A_325 {
        %dma_wait3A_352 = arith.constant 0 : i32
        %dma_wait3A_353 = arith.constant 0 : i32
        %dma_wait3A_354 = tpu.memref_slice %arg17[%dma_wait3A_352, %dma_wait3A_353] : memref<138x129xf32, #tpu.memory_space<vmem>> -> memref<138x128xf32, #tpu.memory_space<vmem>>
        %dma_wait3A_355 = arith.constant 0 : i32
        %dma_wait3A_356 = arith.constant 0 : i32
        %dma_wait3A_357 = tpu.memref_slice %arg8[%dma_wait3A_355, %select_n3A_280, %select_n3A_304, %select_n3A_320, %dma_wait3A_356] : memref<138x25x8x8x128xf32, #tpu.memory_space<hbm>> -> memref<138x1x1x1x128xf32, #tpu.memory_space<hbm>>
        %dma_wait3A_358 = tpu.memref_squeeze %dma_wait3A_357 : memref<138x1x1x1x128xf32, #tpu.memory_space<hbm>> -> memref<138x128xf32, #tpu.memory_space<hbm>>
        %dma_wait3A_359 = arith.constant 0 : i32
        %dma_wait3A_360 = arith.constant 0 : i32
        %dma_wait3A_361 = tpu.memref_slice %arg8[%dma_wait3A_359, %select_n3A_280, %select_n3A_304, %select_n3A_320, %dma_wait3A_360] : memref<138x25x8x8x128xf32, #tpu.memory_space<hbm>> -> memref<138x1x1x1x128xf32, #tpu.memory_space<hbm>>
        %dma_wait3A_362 = tpu.memref_squeeze %dma_wait3A_361 : memref<138x1x1x1x128xf32, #tpu.memory_space<hbm>> -> memref<138x128xf32, #tpu.memory_space<hbm>>
        %dma_wait3A_363 = arith.constant 0 : i32
        %dma_wait3A_364 = arith.constant 0 : i32
        %dma_wait3A_365 = tpu.memref_slice %arg17[%dma_wait3A_363, %dma_wait3A_364] : memref<138x129xf32, #tpu.memory_space<vmem>> -> memref<138x128xf32, #tpu.memory_space<vmem>>
        tpu.wait_dma2 semaphore(%arg21 : memref<!tpu.dma_semaphore, #tpu.memory_space<semaphore_mem>>) src(%dma_wait3A_365 : memref<138x128xf32, #tpu.memory_space<vmem>>) dst(%dma_wait3A_362 : memref<138x128xf32, #tpu.memory_space<hbm>>)
      } else {
      }
      %parallel_loop3A_326 = arith.constant 0 : i32
      %parallel_loop3A_327 = arith.constant 8 : i32
      %parallel_loop3A_328 = arith.constant 1 : i32
      scf.for %parallel_loop3A_352 = %parallel_loop3A_326 to %parallel_loop3A_327 step %parallel_loop3A_328  : i32 {
        %parallel_loop3A_353 = arith.constant 128 : i32
        %parallel_loop3A_354 = arith.muli %add3A_212, %parallel_loop3A_353 : i32
        %parallel_loop3A_355 = arith.constant 16 : i32
        %parallel_loop3A_356 = arith.muli %parallel_loop3A_352, %parallel_loop3A_355 : i32
        %parallel_loop3A_357 = arith.addi %parallel_loop3A_354, %parallel_loop3A_356 : i32
        %parallel_loop3A_358 = arith.index_cast %parallel_loop3A_357 : i32 to index
        %parallel_loop3A_359 = tpu.vector_load %arg10[%parallel_loop3A_358] {strides = array<i32>} : memref<6400xi32, #tpu.memory_space<vmem>>, vector<16xi32>,
        %parallel_loop3A_360 = arith.constant 5 : i32
        %parallel_loop3A_361 = vector.broadcast %parallel_loop3A_360 : i32 to vector<16xi32>
        %parallel_loop3A_362 = arith.muli %parallel_loop3A_359, %parallel_loop3A_361 : vector<16xi32>
        %parallel_loop3A_363 = arith.constant 128 : i32
        %parallel_loop3A_364 = arith.muli %add3A_212, %parallel_loop3A_363 : i32
        %parallel_loop3A_365 = arith.constant 16 : i32
        %parallel_loop3A_366 = arith.muli %parallel_loop3A_352, %parallel_loop3A_365 : i32
        %parallel_loop3A_367 = arith.addi %parallel_loop3A_364, %parallel_loop3A_366 : i32
        %parallel_loop3A_368 = arith.index_cast %parallel_loop3A_367 : i32 to index
        %parallel_loop3A_369 = tpu.vector_load %arg11[%parallel_loop3A_368] {strides = array<i32>} : memref<6400xi32, #tpu.memory_space<vmem>>, vector<16xi32>,
        %parallel_loop3A_370 = arith.constant 5 : i32
        %parallel_loop3A_371 = vector.broadcast %parallel_loop3A_370 : i32 to vector<16xi32>
        %parallel_loop3A_372 = arith.muli %parallel_loop3A_369, %parallel_loop3A_371 : vector<16xi32>
        %parallel_loop3A_373 = arith.constant 0 : i32
        %parallel_loop3A_374 = vector.broadcast %parallel_loop3A_373 : i32 to vector<16xi32>
        %parallel_loop3A_375 = arith.addi %parallel_loop3A_362, %parallel_loop3A_374 : vector<16xi32>
        %parallel_loop3A_376 = tpu.vector_load_idx %arg12[%parallel_loop3A_375] : memref<2000xf32, #tpu.memory_space<vmem>>[vector<16xi32>], vector<16xf32>,
        %parallel_loop3A_377 = arith.constant 16 : i32
        %parallel_loop3A_378 = arith.muli %parallel_loop3A_352, %parallel_loop3A_377 : i32
        %parallel_loop3A_379 = arith.constant 128 : i32
        %parallel_loop3A_380 = arith.index_cast %parallel_loop3A_379 : i32 to index
        %parallel_loop3A_381 = arith.index_cast %parallel_loop3A_378 : i32 to index
        %parallel_loop3A_382 = tpu.vector_load %arg17[%parallel_loop3A_380, %parallel_loop3A_381] {strides = array<i32>} : memref<138x129xf32, #tpu.memory_space<vmem>>, vector<16xf32>,
        tpu.vector_store %arg17[%parallel_loop3A_380, %parallel_loop3A_381], %parallel_loop3A_376 {strides = array<i32>} : memref<138x129xf32, #tpu.memory_space<vmem>>, vector<16xf32>,
        %parallel_loop3A_383 = arith.constant 0 : i32
        %parallel_loop3A_384 = vector.broadcast %parallel_loop3A_383 : i32 to vector<16xi32>
        %parallel_loop3A_385 = arith.addi %parallel_loop3A_372, %parallel_loop3A_384 : vector<16xi32>
        %parallel_loop3A_386 = tpu.vector_load_idx %arg13[%parallel_loop3A_385] : memref<2000xf32, #tpu.memory_space<vmem>>[vector<16xi32>], vector<16xf32>,
        %parallel_loop3A_387 = arith.constant 16 : i32
        %parallel_loop3A_388 = arith.muli %parallel_loop3A_352, %parallel_loop3A_387 : i32
        %parallel_loop3A_389 = arith.constant 133 : i32
        %parallel_loop3A_390 = arith.index_cast %parallel_loop3A_389 : i32 to index
        %parallel_loop3A_391 = arith.index_cast %parallel_loop3A_388 : i32 to index
        %parallel_loop3A_392 = tpu.vector_load %arg17[%parallel_loop3A_390, %parallel_loop3A_391] {strides = array<i32>} : memref<138x129xf32, #tpu.memory_space<vmem>>, vector<16xf32>,
        tpu.vector_store %arg17[%parallel_loop3A_390, %parallel_loop3A_391], %parallel_loop3A_386 {strides = array<i32>} : memref<138x129xf32, #tpu.memory_space<vmem>>, vector<16xf32>,
        %parallel_loop3A_393 = arith.constant 1 : i32
        %parallel_loop3A_394 = vector.broadcast %parallel_loop3A_393 : i32 to vector<16xi32>
        %parallel_loop3A_395 = arith.addi %parallel_loop3A_362, %parallel_loop3A_394 : vector<16xi32>
        %parallel_loop3A_396 = tpu.vector_load_idx %arg12[%parallel_loop3A_395] : memref<2000xf32, #tpu.memory_space<vmem>>[vector<16xi32>], vector<16xf32>,
        %parallel_loop3A_397 = arith.constant 16 : i32
        %parallel_loop3A_398 = arith.muli %parallel_loop3A_352, %parallel_loop3A_397 : i32
        %parallel_loop3A_399 = arith.constant 129 : i32
        %parallel_loop3A_400 = arith.index_cast %parallel_loop3A_399 : i32 to index
        %parallel_loop3A_401 = arith.index_cast %parallel_loop3A_398 : i32 to index
        %parallel_loop3A_402 = tpu.vector_load %arg17[%parallel_loop3A_400, %parallel_loop3A_401] {strides = array<i32>} : memref<138x129xf32, #tpu.memory_space<vmem>>, vector<16xf32>,
        tpu.vector_store %arg17[%parallel_loop3A_400, %parallel_loop3A_401], %parallel_loop3A_396 {strides = array<i32>} : memref<138x129xf32, #tpu.memory_space<vmem>>, vector<16xf32>,
        %parallel_loop3A_403 = arith.constant 1 : i32
        %parallel_loop3A_404 = vector.broadcast %parallel_loop3A_403 : i32 to vector<16xi32>
        %parallel_loop3A_405 = arith.addi %parallel_loop3A_372, %parallel_loop3A_404 : vector<16xi32>
        %parallel_loop3A_406 = tpu.vector_load_idx %arg13[%parallel_loop3A_405] : memref<2000xf32, #tpu.memory_space<vmem>>[vector<16xi32>], vector<16xf32>,
        %parallel_loop3A_407 = arith.constant 16 : i32
        %parallel_loop3A_408 = arith.muli %parallel_loop3A_352, %parallel_loop3A_407 : i32
        %parallel_loop3A_409 = arith.constant 134 : i32
        %parallel_loop3A_410 = arith.index_cast %parallel_loop3A_409 : i32 to index
        %parallel_loop3A_411 = arith.index_cast %parallel_loop3A_408 : i32 to index
        %parallel_loop3A_412 = tpu.vector_load %arg17[%parallel_loop3A_410, %parallel_loop3A_411] {strides = array<i32>} : memref<138x129xf32, #tpu.memory_space<vmem>>, vector<16xf32>,
        tpu.vector_store %arg17[%parallel_loop3A_410, %parallel_loop3A_411], %parallel_loop3A_406 {strides = array<i32>} : memref<138x129xf32, #tpu.memory_space<vmem>>, vector<16xf32>,
        %parallel_loop3A_413 = arith.constant 2 : i32
        %parallel_loop3A_414 = vector.broadcast %parallel_loop3A_413 : i32 to vector<16xi32>
        %parallel_loop3A_415 = arith.addi %parallel_loop3A_362, %parallel_loop3A_414 : vector<16xi32>
        %parallel_loop3A_416 = tpu.vector_load_idx %arg12[%parallel_loop3A_415] : memref<2000xf32, #tpu.memory_space<vmem>>[vector<16xi32>], vector<16xf32>,
        %parallel_loop3A_417 = arith.constant 16 : i32
        %parallel_loop3A_418 = arith.muli %parallel_loop3A_352, %parallel_loop3A_417 : i32
        %parallel_loop3A_419 = arith.constant 130 : i32
        %parallel_loop3A_420 = arith.index_cast %parallel_loop3A_419 : i32 to index
        %parallel_loop3A_421 = arith.index_cast %parallel_loop3A_418 : i32 to index
        %parallel_loop3A_422 = tpu.vector_load %arg17[%parallel_loop3A_420, %parallel_loop3A_421] {strides = array<i32>} : memref<138x129xf32, #tpu.memory_space<vmem>>, vector<16xf32>,
        tpu.vector_store %arg17[%parallel_loop3A_420, %parallel_loop3A_421], %parallel_loop3A_416 {strides = array<i32>} : memref<138x129xf32, #tpu.memory_space<vmem>>, vector<16xf32>,
        %parallel_loop3A_423 = arith.constant 2 : i32
        %parallel_loop3A_424 = vector.broadcast %parallel_loop3A_423 : i32 to vector<16xi32>
        %parallel_loop3A_425 = arith.addi %parallel_loop3A_372, %parallel_loop3A_424 : vector<16xi32>
        %parallel_loop3A_426 = tpu.vector_load_idx %arg13[%parallel_loop3A_425] : memref<2000xf32, #tpu.memory_space<vmem>>[vector<16xi32>], vector<16xf32>,
        %parallel_loop3A_427 = arith.constant 16 : i32
        %parallel_loop3A_428 = arith.muli %parallel_loop3A_352, %parallel_loop3A_427 : i32
        %parallel_loop3A_429 = arith.constant 135 : i32
        %parallel_loop3A_430 = arith.index_cast %parallel_loop3A_429 : i32 to index
        %parallel_loop3A_431 = arith.index_cast %parallel_loop3A_428 : i32 to index
        %parallel_loop3A_432 = tpu.vector_load %arg17[%parallel_loop3A_430, %parallel_loop3A_431] {strides = array<i32>} : memref<138x129xf32, #tpu.memory_space<vmem>>, vector<16xf32>,
        tpu.vector_store %arg17[%parallel_loop3A_430, %parallel_loop3A_431], %parallel_loop3A_426 {strides = array<i32>} : memref<138x129xf32, #tpu.memory_space<vmem>>, vector<16xf32>,
        %parallel_loop3A_433 = arith.constant 3 : i32
        %parallel_loop3A_434 = vector.broadcast %parallel_loop3A_433 : i32 to vector<16xi32>
        %parallel_loop3A_435 = arith.addi %parallel_loop3A_362, %parallel_loop3A_434 : vector<16xi32>
        %parallel_loop3A_436 = tpu.vector_load_idx %arg12[%parallel_loop3A_435] : memref<2000xf32, #tpu.memory_space<vmem>>[vector<16xi32>], vector<16xf32>,
        %parallel_loop3A_437 = arith.constant 16 : i32
        %parallel_loop3A_438 = arith.muli %parallel_loop3A_352, %parallel_loop3A_437 : i32
        %parallel_loop3A_439 = arith.constant 131 : i32
        %parallel_loop3A_440 = arith.index_cast %parallel_loop3A_439 : i32 to index
        %parallel_loop3A_441 = arith.index_cast %parallel_loop3A_438 : i32 to index
        %parallel_loop3A_442 = tpu.vector_load %arg17[%parallel_loop3A_440, %parallel_loop3A_441] {strides = array<i32>} : memref<138x129xf32, #tpu.memory_space<vmem>>, vector<16xf32>,
        tpu.vector_store %arg17[%parallel_loop3A_440, %parallel_loop3A_441], %parallel_loop3A_436 {strides = array<i32>} : memref<138x129xf32, #tpu.memory_space<vmem>>, vector<16xf32>,
        %parallel_loop3A_443 = arith.constant 3 : i32
        %parallel_loop3A_444 = vector.broadcast %parallel_loop3A_443 : i32 to vector<16xi32>
        %parallel_loop3A_445 = arith.addi %parallel_loop3A_372, %parallel_loop3A_444 : vector<16xi32>
        %parallel_loop3A_446 = tpu.vector_load_idx %arg13[%parallel_loop3A_445] : memref<2000xf32, #tpu.memory_space<vmem>>[vector<16xi32>], vector<16xf32>,
        %parallel_loop3A_447 = arith.constant 16 : i32
        %parallel_loop3A_448 = arith.muli %parallel_loop3A_352, %parallel_loop3A_447 : i32
        %parallel_loop3A_449 = arith.constant 136 : i32
        %parallel_loop3A_450 = arith.index_cast %parallel_loop3A_449 : i32 to index
        %parallel_loop3A_451 = arith.index_cast %parallel_loop3A_448 : i32 to index
        %parallel_loop3A_452 = tpu.vector_load %arg17[%parallel_loop3A_450, %parallel_loop3A_451] {strides = array<i32>} : memref<138x129xf32, #tpu.memory_space<vmem>>, vector<16xf32>,
        tpu.vector_store %arg17[%parallel_loop3A_450, %parallel_loop3A_451], %parallel_loop3A_446 {strides = array<i32>} : memref<138x129xf32, #tpu.memory_space<vmem>>, vector<16xf32>,
        %parallel_loop3A_453 = arith.constant 4 : i32
        %parallel_loop3A_454 = vector.broadcast %parallel_loop3A_453 : i32 to vector<16xi32>
        %parallel_loop3A_455 = arith.addi %parallel_loop3A_362, %parallel_loop3A_454 : vector<16xi32>
        %parallel_loop3A_456 = tpu.vector_load_idx %arg12[%parallel_loop3A_455] : memref<2000xf32, #tpu.memory_space<vmem>>[vector<16xi32>], vector<16xf32>,
        %parallel_loop3A_457 = arith.constant 16 : i32
        %parallel_loop3A_458 = arith.muli %parallel_loop3A_352, %parallel_loop3A_457 : i32
        %parallel_loop3A_459 = arith.constant 132 : i32
        %parallel_loop3A_460 = arith.index_cast %parallel_loop3A_459 : i32 to index
        %parallel_loop3A_461 = arith.index_cast %parallel_loop3A_458 : i32 to index
        %parallel_loop3A_462 = tpu.vector_load %arg17[%parallel_loop3A_460, %parallel_loop3A_461] {strides = array<i32>} : memref<138x129xf32, #tpu.memory_space<vmem>>, vector<16xf32>,
        tpu.vector_store %arg17[%parallel_loop3A_460, %parallel_loop3A_461], %parallel_loop3A_456 {strides = array<i32>} : memref<138x129xf32, #tpu.memory_space<vmem>>, vector<16xf32>,
        %parallel_loop3A_463 = arith.constant 4 : i32
        %parallel_loop3A_464 = vector.broadcast %parallel_loop3A_463 : i32 to vector<16xi32>
        %parallel_loop3A_465 = arith.addi %parallel_loop3A_372, %parallel_loop3A_464 : vector<16xi32>
        %parallel_loop3A_466 = tpu.vector_load_idx %arg13[%parallel_loop3A_465] : memref<2000xf32, #tpu.memory_space<vmem>>[vector<16xi32>], vector<16xf32>,
        %parallel_loop3A_467 = arith.constant 16 : i32
        %parallel_loop3A_468 = arith.muli %parallel_loop3A_352, %parallel_loop3A_467 : i32
        %parallel_loop3A_469 = arith.constant 137 : i32
        %parallel_loop3A_470 = arith.index_cast %parallel_loop3A_469 : i32 to index
        %parallel_loop3A_471 = arith.index_cast %parallel_loop3A_468 : i32 to index
        %parallel_loop3A_472 = tpu.vector_load %arg17[%parallel_loop3A_470, %parallel_loop3A_471] {strides = array<i32>} : memref<138x129xf32, #tpu.memory_space<vmem>>, vector<16xf32>,
        tpu.vector_store %arg17[%parallel_loop3A_470, %parallel_loop3A_471], %parallel_loop3A_466 {strides = array<i32>} : memref<138x129xf32, #tpu.memory_space<vmem>>, vector<16xf32>,
      } {sc.loop_unroll_factor = 2 : i64, sc.parallel_access}
      %mul3A_329 = arith.constant 128 : i32
      %mul3A_330 = arith.muli %add3A_212, %mul3A_329 : i32
      %dma_wait3A_331 = tpu.memref_slice %arg9[%mul3A_330] : memref<6400xi32, #tpu.memory_space<vmem>> -> memref<128xi32, #tpu.memory_space<vmem>>
      %dma_wait3A_332 = arith.constant 0 : i32
      %dma_wait3A_333 = arith.constant 0 : i32
      %dma_wait3A_334 = tpu.memref_slice %arg5[%dma_wait3A_332, %dma_wait3A_333] : memref<100000x128xf32, #tpu.memory_space<hbm>> -> memref<100000x128xf32, #tpu.memory_space<hbm>>
      tpu.wait_indirect_dma semaphore(%arg19 : memref<!tpu.dma_semaphore, #tpu.memory_space<semaphore_mem>>) src(%dma_wait3A_334 : memref<100000x128xf32, #tpu.memory_space<hbm>>) dst(%arg15 : memref<128x128xf32, #tpu.memory_space<vmem>>)
      %parallel_loop3A_335 = arith.constant 0 : i32
      %parallel_loop3A_336 = arith.constant 128 : i32
      %parallel_loop3A_337 = arith.constant 1 : i32
      scf.for %parallel_loop3A_352 = %parallel_loop3A_335 to %parallel_loop3A_336 step %parallel_loop3A_337  : i32 {
        %parallel_loop3A_353 = vector.broadcast %parallel_loop3A_352 : i32 to vector<16xi32>
        %parallel_loop3A_354 = arith.index_cast %parallel_loop3A_352 : i32 to index
        %parallel_loop3A_355 = arith.constant 0 : index
        %parallel_loop3A_356 = tpu.vector_load %arg15[%parallel_loop3A_354, %parallel_loop3A_355] {strides = array<i32>} : memref<128x128xf32, #tpu.memory_space<vmem>>, vector<16xf32>,
        tpu.vector_store_idx %arg17[%add3A_5, %parallel_loop3A_353], %parallel_loop3A_356 : memref<138x129xf32, #tpu.memory_space<vmem>>[vector<16xi32>, vector<16xi32>], vector<16xf32>,
        %parallel_loop3A_357 = arith.index_cast %parallel_loop3A_352 : i32 to index
        %parallel_loop3A_358 = arith.constant 16 : index
        %parallel_loop3A_359 = tpu.vector_load %arg15[%parallel_loop3A_357, %parallel_loop3A_358] {strides = array<i32>} : memref<128x128xf32, #tpu.memory_space<vmem>>, vector<16xf32>,
        tpu.vector_store_idx %arg17[%add3A_8, %parallel_loop3A_353], %parallel_loop3A_359 : memref<138x129xf32, #tpu.memory_space<vmem>>[vector<16xi32>, vector<16xi32>], vector<16xf32>,
        %parallel_loop3A_360 = arith.index_cast %parallel_loop3A_352 : i32 to index
        %parallel_loop3A_361 = arith.constant 32 : index
        %parallel_loop3A_362 = tpu.vector_load %arg15[%parallel_loop3A_360, %parallel_loop3A_361] {strides = array<i32>} : memref<128x128xf32, #tpu.memory_space<vmem>>, vector<16xf32>,
        tpu.vector_store_idx %arg17[%add3A_11, %parallel_loop3A_353], %parallel_loop3A_362 : memref<138x129xf32, #tpu.memory_space<vmem>>[vector<16xi32>, vector<16xi32>], vector<16xf32>,
        %parallel_loop3A_363 = arith.index_cast %parallel_loop3A_352 : i32 to index
        %parallel_loop3A_364 = arith.constant 48 : index
        %parallel_loop3A_365 = tpu.vector_load %arg15[%parallel_loop3A_363, %parallel_loop3A_364] {strides = array<i32>} : memref<128x128xf32, #tpu.memory_space<vmem>>, vector<16xf32>,
        tpu.vector_store_idx %arg17[%add3A_14, %parallel_loop3A_353], %parallel_loop3A_365 : memref<138x129xf32, #tpu.memory_space<vmem>>[vector<16xi32>, vector<16xi32>], vector<16xf32>,
        %parallel_loop3A_366 = arith.index_cast %parallel_loop3A_352 : i32 to index
        %parallel_loop3A_367 = arith.constant 64 : index
        %parallel_loop3A_368 = tpu.vector_load %arg15[%parallel_loop3A_366, %parallel_loop3A_367] {strides = array<i32>} : memref<128x128xf32, #tpu.memory_space<vmem>>, vector<16xf32>,
        tpu.vector_store_idx %arg17[%add3A_17, %parallel_loop3A_353], %parallel_loop3A_368 : memref<138x129xf32, #tpu.memory_space<vmem>>[vector<16xi32>, vector<16xi32>], vector<16xf32>,
        %parallel_loop3A_369 = arith.index_cast %parallel_loop3A_352 : i32 to index
        %parallel_loop3A_370 = arith.constant 80 : index
        %parallel_loop3A_371 = tpu.vector_load %arg15[%parallel_loop3A_369, %parallel_loop3A_370] {strides = array<i32>} : memref<128x128xf32, #tpu.memory_space<vmem>>, vector<16xf32>,
        tpu.vector_store_idx %arg17[%add3A_20, %parallel_loop3A_353], %parallel_loop3A_371 : memref<138x129xf32, #tpu.memory_space<vmem>>[vector<16xi32>, vector<16xi32>], vector<16xf32>,
        %parallel_loop3A_372 = arith.index_cast %parallel_loop3A_352 : i32 to index
        %parallel_loop3A_373 = arith.constant 96 : index
        %parallel_loop3A_374 = tpu.vector_load %arg15[%parallel_loop3A_372, %parallel_loop3A_373] {strides = array<i32>} : memref<128x128xf32, #tpu.memory_space<vmem>>, vector<16xf32>,
        tpu.vector_store_idx %arg17[%add3A_23, %parallel_loop3A_353], %parallel_loop3A_374 : memref<138x129xf32, #tpu.memory_space<vmem>>[vector<16xi32>, vector<16xi32>], vector<16xf32>,
        %parallel_loop3A_375 = arith.index_cast %parallel_loop3A_352 : i32 to index
        %parallel_loop3A_376 = arith.constant 112 : index
        %parallel_loop3A_377 = tpu.vector_load %arg15[%parallel_loop3A_375, %parallel_loop3A_376] {strides = array<i32>} : memref<128x128xf32, #tpu.memory_space<vmem>>, vector<16xf32>,
        tpu.vector_store_idx %arg17[%add3A_26, %parallel_loop3A_353], %parallel_loop3A_377 : memref<138x129xf32, #tpu.memory_space<vmem>>[vector<16xi32>, vector<16xi32>], vector<16xf32>,
      } {sc.loop_unroll_factor = 4 : i64, sc.parallel_access}
      %dma_start3A_338 = arith.constant 0 : i32
      %dma_start3A_339 = arith.constant 0 : i32
      %dma_start3A_340 = tpu.memref_slice %arg17[%dma_start3A_338, %dma_start3A_339] : memref<138x129xf32, #tpu.memory_space<vmem>> -> memref<138x128xf32, #tpu.memory_space<vmem>>
      %dma_start3A_341 = arith.constant 0 : i32
      %dma_start3A_342 = arith.constant 0 : i32
      %dma_start3A_343 = tpu.memref_slice %arg8[%dma_start3A_341, %select_n3A_280, %select_n3A_304, %select_n3A_320, %dma_start3A_342] : memref<138x25x8x8x128xf32, #tpu.memory_space<hbm>> -> memref<138x1x1x1x128xf32, #tpu.memory_space<hbm>>
      %dma_start3A_344 = tpu.memref_squeeze %dma_start3A_343 : memref<138x1x1x1x128xf32, #tpu.memory_space<hbm>> -> memref<138x128xf32, #tpu.memory_space<hbm>>
      %dma_start3A_345 = arith.constant 0 : i32
      %dma_start3A_346 = arith.constant 0 : i32
      %dma_start3A_347 = tpu.memref_slice %arg8[%dma_start3A_345, %select_n3A_280, %select_n3A_304, %select_n3A_320, %dma_start3A_346] : memref<138x25x8x8x128xf32, #tpu.memory_space<hbm>> -> memref<138x1x1x1x128xf32, #tpu.memory_space<hbm>>
      %dma_start3A_348 = tpu.memref_squeeze %dma_start3A_347 : memref<138x1x1x1x128xf32, #tpu.memory_space<hbm>> -> memref<138x128xf32, #tpu.memory_space<hbm>>
      %dma_start3A_349 = arith.constant 0 : i32
      %dma_start3A_350 = arith.constant 0 : i32
      %dma_start3A_351 = tpu.memref_slice %arg17[%dma_start3A_349, %dma_start3A_350] : memref<138x129xf32, #tpu.memory_space<vmem>> -> memref<138x128xf32, #tpu.memory_space<vmem>>
      tpu.enqueue_dma source(%dma_start3A_351 : memref<138x128xf32, #tpu.memory_space<vmem>>) target(%dma_start3A_348 : memref<138x128xf32, #tpu.memory_space<hbm>>) target_semaphore(%arg21 : memref<!tpu.dma_semaphore, #tpu.memory_space<semaphore_mem>>)
    }
    %scan3A_35 = arith.constant 25 : i32
    %dma_wait3A = arith.constant 0 : i32
    %dma_wait3A_36 = arith.constant 0 : i32
    %dma_wait3A_37 = arith.constant 0 : i32
    %dma_wait3A_38 = arith.constant 0 : i32
    %dma_wait3A_39 = arith.constant 0 : i32
    %dma_wait3A_40 = tpu.memref_slice %arg16[%dma_wait3A_38, %dma_wait3A_39] : memref<138x129xf32, #tpu.memory_space<vmem>> -> memref<138x128xf32, #tpu.memory_space<vmem>>
    %dma_wait3A_41 = arith.constant 0 : i32
    %dma_wait3A_42 = arith.constant 0 : i32
    %dma_wait3A_43 = tpu.memref_slice %arg8[%dma_wait3A_41, %dma_wait3A, %dma_wait3A_36, %dma_wait3A_37, %dma_wait3A_42] : memref<138x25x8x8x128xf32, #tpu.memory_space<hbm>> -> memref<138x1x1x1x128xf32, #tpu.memory_space<hbm>>
    %dma_wait3A_44 = tpu.memref_squeeze %dma_wait3A_43 : memref<138x1x1x1x128xf32, #tpu.memory_space<hbm>> -> memref<138x128xf32, #tpu.memory_space<hbm>>
    %dma_wait3A_45 = arith.constant 0 : i32
    %dma_wait3A_46 = arith.constant 0 : i32
    %dma_wait3A_47 = tpu.memref_slice %arg8[%dma_wait3A_45, %dma_wait3A, %dma_wait3A_36, %dma_wait3A_37, %dma_wait3A_46] : memref<138x25x8x8x128xf32, #tpu.memory_space<hbm>> -> memref<138x1x1x1x128xf32, #tpu.memory_space<hbm>>
    %dma_wait3A_48 = tpu.memref_squeeze %dma_wait3A_47 : memref<138x1x1x1x128xf32, #tpu.memory_space<hbm>> -> memref<138x128xf32, #tpu.memory_space<hbm>>
    %dma_wait3A_49 = arith.constant 0 : i32
    %dma_wait3A_50 = arith.constant 0 : i32
    %dma_wait3A_51 = tpu.memref_slice %arg16[%dma_wait3A_49, %dma_wait3A_50] : memref<138x129xf32, #tpu.memory_space<vmem>> -> memref<138x128xf32, #tpu.memory_space<vmem>>
    tpu.wait_dma2 semaphore(%arg20 : memref<!tpu.dma_semaphore, #tpu.memory_space<semaphore_mem>>) src(%dma_wait3A_51 : memref<138x128xf32, #tpu.memory_space<vmem>>) dst(%dma_wait3A_48 : memref<138x128xf32, #tpu.memory_space<hbm>>)
    %dma_wait3A_52 = arith.constant 0 : i32
    %dma_wait3A_53 = arith.constant 0 : i32
    %dma_wait3A_54 = arith.constant 0 : i32
    %dma_wait3A_55 = arith.constant 0 : i32
    %dma_wait3A_56 = arith.constant 0 : i32
    %dma_wait3A_57 = tpu.memref_slice %arg17[%dma_wait3A_55, %dma_wait3A_56] : memref<138x129xf32, #tpu.memory_space<vmem>> -> memref<138x128xf32, #tpu.memory_space<vmem>>
    %dma_wait3A_58 = arith.constant 0 : i32
    %dma_wait3A_59 = arith.constant 0 : i32
    %dma_wait3A_60 = tpu.memref_slice %arg8[%dma_wait3A_58, %dma_wait3A_52, %dma_wait3A_53, %dma_wait3A_54, %dma_wait3A_59] : memref<138x25x8x8x128xf32, #tpu.memory_space<hbm>> -> memref<138x1x1x1x128xf32, #tpu.memory_space<hbm>>
    %dma_wait3A_61 = tpu.memref_squeeze %dma_wait3A_60 : memref<138x1x1x1x128xf32, #tpu.memory_space<hbm>> -> memref<138x128xf32, #tpu.memory_space<hbm>>
    %dma_wait3A_62 = arith.constant 0 : i32
    %dma_wait3A_63 = arith.constant 0 : i32
    %dma_wait3A_64 = tpu.memref_slice %arg8[%dma_wait3A_62, %dma_wait3A_52, %dma_wait3A_53, %dma_wait3A_54, %dma_wait3A_63] : memref<138x25x8x8x128xf32, #tpu.memory_space<hbm>> -> memref<138x1x1x1x128xf32, #tpu.memory_space<hbm>>
    %dma_wait3A_65 = tpu.memref_squeeze %dma_wait3A_64 : memref<138x1x1x1x128xf32, #tpu.memory_space<hbm>> -> memref<138x128xf32, #tpu.memory_space<hbm>>
    %dma_wait3A_66 = arith.constant 0 : i32
    %dma_wait3A_67 = arith.constant 0 : i32
    %dma_wait3A_68 = tpu.memref_slice %arg17[%dma_wait3A_66, %dma_wait3A_67] : memref<138x129xf32, #tpu.memory_space<vmem>> -> memref<138x128xf32, #tpu.memory_space<vmem>>
    tpu.wait_dma2 semaphore(%arg21 : memref<!tpu.dma_semaphore, #tpu.memory_space<semaphore_mem>>) src(%dma_wait3A_68 : memref<138x128xf32, #tpu.memory_space<vmem>>) dst(%dma_wait3A_65 : memref<138x128xf32, #tpu.memory_space<hbm>>)
    return
  }
}

</mosaic_0001>

<sc_bundles>
// kernel: kernel.3.cloned.1.call-start
scs
__scs_entry_jumppad:
0x0: {  	(pc) =	sbr.rel $0x88, $3  }
0x1: {  	(tag) =	ssettag $0x0;
	lr =	simm.s32 $0x1  }
0x2: {  	[smem:$0x3F9B] =	sst lr;
	_ =	strace $0xD0000000  }
0x3: {  	_ = 	snop  }
0x4: {  	_ = 	snop  }
0x5: {  	_ = 	snop  }
0x6: {  	_ = 	snop  }
0x7: {  	_ = 	snop  }
__scs_overlays_trampoline_lowered:
0x8: {  	[smem:$0x3FAA] =	sst s0  }
0x9: {  	[smem:$0x3FAB] =	sst s1  }
0xa: {  	[smem:$0x3FAC] =	sst s2  }
0xb: {  	[smem:$0x3FAD] =	sst s3  }
0xc: {  	[smem:$0x3FAE] =	sst s4  }
0xd: {  	[smem:$0x3FAF] =	sst s5  }
0xe: {  	[smem:$0x3FB0] =	sst s6  }
0xf: {  	[smem:$0x3FB1] =	sst s7  }
0x10: {  	[smem:$0x3FB2] =	sst s8  }
0x11: {  	[smem:$0x3FB3] =	sst s9;
	s0 =	simm.s32 @!p0 $0x0  }
0x12: {  	s1 =	sld [smem:$0x3F99];
	s0 =	simm.s32 @p0 $0x1  }
0x13: {  	[smem:$0x3FB4] =	sst s0;
	s0 =	simm.s32 @!p1 $0x0  }
0x14: {  	s2 =	sld [smem:$0x3F98];
	s0 =	simm.s32 @p1 $0x1  }
0x15: {  	[smem:$0x3FB5] =	sst s0;
	s0 =	simm.s32 @!p2 $0x0  }
0x16: {  	s3 =	sld [smem:$0x3FDB];
	s0 =	simm.s32 @p2 $0x1  }
0x17: {  	s4 =	simm.s32 $0x1BF5;
	[smem:$0x3FB7] =	sst s0  }
0x18: {  	s0 =	sld [smem:$0x3F9A];
	_ =	swait.ge [sflag:s4], $0x0  }
0x19: {  	s7 =	sld [smem:$0x3F9B]  }
0x1a: {  	s8 =	sadd.s32 $0xFFFFE003, lr  }
0x1b: {  	s9 =	sadd.s32 $0xFFFFFEF7, lr;
	s5 =	simm.s32 $0xFFFFFFFF;
	p2 =	slt.u32 s8, $0xFFFFF086  }
0x1c: {  	p1 =	slt.u32 s9, $0xF7A;
	s5 =	simm.s32 @!p2 $0x0  }
0x1d: {  	s5 =	simm.s32 @p1 $0x1;
	p0 =	seq.s32 s7, s2  }
0x1e: {  	s7 =	smul.u32 @!p0 $0xF7A, s2;
	p2 =	seq.s32 @!p0 s5, $0x0  }
0x1f: {  	s9 =	smul.u32 $0xF7A, s1;
	s8 =	simm.s32 @!p0 $0x1BF5;
	p2 =	por !p2, p0  }
0x20: {  	[sflag:s8] =	ssyncset.s32 @!p0 $0xFFFFF086;
	s6 =	sadd.s32 @!p0 s3, s7;
	s7 =	simm.s32 @!p0 $0x108  }
0x21: {  	s3 =	sadd.s32 s3, s9;
	s6 =	sadd.s32 @!p0 $0x88, s6;
	s7 =	simm.s32 @p2 $0x1082  }
0x22: {  	[simem:s7], [sflag:s8] =	dma.local @!p0 [hbm:s6], $0xF7A  }
0x23: {  	s9 =	sor.u32 $0xD0000000, s2;
	s6 =	simm.s32 $0x108;
	_ =	swait.ge @!p0 [sflag:s8], $0x0  }
0x24: {  	s3 =	sadd.s32 $0x88, s3;
	s6 =	simm.s32 @!p1 $0x1082;
	[sflag:s4] =	ssyncset.s32 $0xFFFFF086  }
0x25: {  	[simem:s6], [sflag:s4] =	dma.local [hbm:s3], $0xF7A  }
0x26: {  	[smem:$0x3F9B] =	sst s1;
	(tag) =	ssettag s2;
	_ =	strace s9  }
0x27: {  	s1 =	sld [smem:$0x3FAB]  }
0x28: {  	s2 =	sld [smem:$0x3FAC]  }
0x29: {  	s4 =	sld [smem:$0x3FAE]  }
0x2a: {  	p0 =	seq.s32 s5, $0x0;
	s5 =	sld [smem:$0x3FAF]  }
0x2b: {  	s6 =	sld [smem:$0x3FB0]  }
0x2c: {  	s7 =	sld [smem:$0x3FB1]  }
0x2d: {  	s3 =	simm.s32 $0x108;
	s8 =	sld [smem:$0x3FB2]  }
0x2e: {  	s3 =	simm.s32 @!p0 $0x1082;
	s9 =	sld [smem:$0x3FB3]  }
0x2f: {  	lr =	sadd.s32 s0, s3;
	s0 =	sld [smem:$0x3FAA]  }
0x30: {  	s3 =	sld [smem:$0x3FAD]  }
0x31: {  	[smem:$0x3FB6] =	sst s10  }
0x32: {  	s10 =	sld [smem:$0x3FB4];
	_ =	sdelay $0x3  }
0x33: {  	p0 =	seq.s32 s10, $0x1;
	s10 =	sld [smem:$0x3FB6];
	_ =	sdelay $0x3  }
0x34: {  	[smem:$0x3FB6] =	sst s10  }
0x35: {  	s10 =	sld [smem:$0x3FB5];
	_ =	sdelay $0x3  }
0x36: {  	p1 =	seq.s32 s10, $0x1;
	s10 =	sld [smem:$0x3FB6];
	_ =	sdelay $0x3  }
0x37: {  	[smem:$0x3FB6] =	sst s10  }
0x38: {  	s10 =	sld [smem:$0x3FB7]  }
0x39: {  	_ = 	snop;
	(pc) =	sbr.ind lr, $3  }
0x3a: {  	_ = 	snop  }
0x3b: {  	_ = 	snop  }
0x3c: {  	p2 =	seq.s32 s10, $0x1;
	s10 =	sld [smem:$0x3FB6]  }
0x3d: {  	_ =	shalt  }
0x3e: {  	_ =	shalt  }
0x3f: {  	_ =	shalt  }
0x40: {  	_ =	shalt  }
0x41: {  	_ =	shalt  }
0x42: {  	_ =	shalt  }
0x43: {  	_ =	shalt  }
0x44: {  	_ =	shalt  }
0x45: {  	_ =	shalt  }
0x46: {  	_ =	shalt  }
0x47: {  	_ =	shalt  }
0x48: {  	_ =	shalt  }
0x49: {  	_ =	shalt  }
0x4a: {  	_ =	shalt  }
0x4b: {  	_ =	shalt  }
0x4c: {  	_ =	shalt  }
0x4d: {  	_ =	shalt  }
0x4e: {  	_ =	shalt  }
0x4f: {  	_ =	shalt  }
0x50: {  	_ =	shalt  }
0x51: {  	_ =	shalt  }
0x52: {  	_ =	shalt  }
0x53: {  	_ =	shalt  }
0x54: {  	_ =	shalt  }
0x55: {  	_ =	shalt  }
0x56: {  	_ =	shalt  }
0x57: {  	_ =	shalt  }
0x58: {  	_ =	shalt  }
0x59: {  	_ =	shalt  }
0x5a: {  	_ =	shalt  }
0x5b: {  	_ =	shalt  }
0x5c: {  	_ =	shalt  }
0x5d: {  	_ =	shalt  }
0x5e: {  	_ =	shalt  }
0x5f: {  	_ =	shalt  }
0x60: {  	_ =	shalt  }
0x61: {  	_ =	shalt  }
0x62: {  	_ =	shalt  }
0x63: {  	_ =	shalt  }
0x64: {  	_ =	shalt  }
0x65: {  	_ =	shalt  }
0x66: {  	_ =	shalt  }
0x67: {  	_ =	shalt  }
0x68: {  	_ =	shalt  }
0x69: {  	_ =	shalt  }
0x6a: {  	_ =	shalt  }
0x6b: {  	_ =	shalt  }
0x6c: {  	_ =	shalt  }
0x6d: {  	_ =	shalt  }
0x6e: {  	_ =	shalt  }
0x6f: {  	_ =	shalt  }
0x70: {  	_ =	shalt  }
0x71: {  	_ =	shalt  }
0x72: {  	_ =	shalt  }
0x73: {  	_ =	shalt  }
0x74: {  	_ =	shalt  }
0x75: {  	_ =	shalt  }
0x76: {  	_ =	shalt  }
0x77: {  	_ =	shalt  }
0x78: {  	_ =	shalt  }
0x79: {  	_ =	shalt  }
0x7a: {  	_ =	shalt  }
0x7b: {  	_ =	shalt  }
0x7c: {  	_ =	shalt  }
0x7d: {  	_ =	shalt  }
0x7e: {  	_ =	shalt  }
0x7f: {  	_ =	shalt  }
0x80: {  	_ =	shalt  }
0x81: {  	_ =	shalt  }
0x82: {  	_ =	shalt  }
0x83: {  	_ =	shalt  }
0x84: {  	_ =	shalt  }
0x85: {  	_ =	shalt  }
0x86: {  	_ =	shalt  }
0x87: {  	_ =	shalt  }
.Lfunc_end0:
.L_simem_size_0:
called_computation_lowered:
.L_overlay_start_0:
0x88: {  	s2 =	sld [smem:$0x3FD9]  }
0x89: {  	s3 =	sld [smem:$0x3FFE];
	_ =	sdelay $0x1  }
0x8a: {  	s1 =	srdreg.scid  }
0x8b: {  	s0 =	sand.u32 $0x1, s1  }
0x8c: {  	s17 =	sshll.u32 s0, $0xA;
	s2 =	sadd.s32 s3, s2  }
0x8d: {  	s2 =	sadd.s32 s2, s17  }
0x8e: {  	[smem:$0x3FC2] =	sst s2  }
0x8f: {  	_ = 	snop  }
0x90: {  	s2 =	sld [smem:$0x3FC6]  }
0x91: {  	s18 =	sld [smem:$0x3FD0];
	(tm) =	ssettm $0x1  }
0x92: {  	s4 =	sld [smem:$0x3FFB];
	_ =	sdelay $0x3  }
0x93: {  	_ =	strace s4  }
0x94: {  	s4 =	sld [smem:$0x3FFC];
	_ =	sdelay $0x3  }
0x95: {  	_ =	strace s4  }
0x96: {  	s4 =	sld [smem:$0x3FFD];
	_ =	sdelay $0x3  }
0x97: {  	_ =	strace s4  }
0x98: {  	_ =	strace $0x8FFFFFFF  }
0x99: {  	s19 =	sld [smem:$0x3FDB];
	_ =	sdelay $0x1  }
0x9a: {  	s5 =	simm.s32 $_scs_section_size  }
0x9b: {  	s6 =	simm.s32 $_size__tile_overlayer_lowered;
	s7 =	simm.s32 $_tile_overlayer_lowered  }
0x9c: {  	s22 =	simm.s32 $0x1BFF;
	s21 =	sshll.u32 s7, $0x1;
	s4 =	sadd.s32 s5, s19  }
0x9d: {  	s8 =	simm.s32 $0x0;
	s20 =	sshll.u32 s6, $0x1;
	s6 =	sadd.s32 s21, s4  }
0x9e: {  	[timem:s8], [sflag:s22] =	dma.local [hbm:s6], s20  }
0x9f: {  	_ =	swait.ge [sflag:s22], s20  }
0xa0: {  	s5 =	ssub.s32 $0x0, s20;
	[sflag:s22] =	ssyncset.done $0x0  }
0xa1: {  	[sflag:s22] =	ssyncadd.s32 s5;
	_ =	sdelay $0x1  }
0xa2: {  	s23 =	simm.s32 $0x1B8B  }
0xa3: {  	_ =	swait.ge [sflag:s23], $0x1  }
0xa4: {  	[sflag:s23] =	ssyncset.done $0x0  }
0xa5: {  	s25 =	simm.s32 $0x1B8E;
	s24 =	sld [smem:$0x3FFE];
	[sflag:s23] =	ssyncadd.s32 $0xFFFFFFFF  }
0xa6: {  	s26 =	simm.s32 $execute0_lowered;
	[smem:$0x3FD2] =	sst s25  }
0xa7: {  	s6 =	sshll.u32 s26, $0x1;
	_ =	strace $0x80000046;
	[dreg:$0x1] =	wrdreg $0xFFFFFFFF  }
0xa8: {  	s28 =	simm.s32 $_size_execute0_lowered;
	s4 =	sadd.s32 s4, s6;
	[dreg:$0x0] =	wrdreg $0x0  }
0xa9: {  	s6 =	sshll.u32 s28, $0x1;
	[dreg:$0x2] =	wrdreg s4  }
0xaa: {  	[dreg:$0x3] =	wrdreg s6  }
0xab: {  	[dreg:$0x4] =	wrdreg $0xC0  }
0xac: {  	_ =	task [dreg:s8], $0x5FFFF  }
0xad: {  	[dreg:$0x1] =	wrdreg $0xFFFFFFFF  }
0xae: {  	[dreg:$0x0] =	wrdreg $0x60  }
0xaf: {  	[dreg:$0x2] =	wrdreg s24  }
0xb0: {  	[dreg:$0x3] =	wrdreg s2  }
0xb1: {  	[dreg:$0x4] =	wrdreg s18  }
0xb2: {  	[dreg:$0x5] =	wrdreg $0x9  }
0xb3: {  	_ =	task.clear_ibuf [dreg:s8], $0x6FFFF;
	_ =	strace $0x90000046  }
0xb4: {  	s29 =	simm.s32 $0x9;
	_ =	strace $0x80000048  }
0xb5: {  	_ =	swait.ge [sflag:s29], $0x1  }
0xb6: {  	[sflag:s29] =	ssyncadd.s32 $0xFFFFFFFF  }
0xb7: {  	_ =	strace $0x90000048  }
0xb8: {  	_ =	sfence  }
0xb9: {  	s30 =	sld [smem:$0x0];
	_ =	sdelay $0x2  }
0xba: {  	s31 =	sshll.u32 s1, $0xD;
	s1 =	sshrl.u32 s1, $0x2  }
0xbb: {  	s3 =	sand.u32 $0x4000, s31;
	s1 =	sadd.s32 s1, s30  }
0xbc: {  	s0 =	sor.u32 s3, s0;
	s1 =	sshll.u32 s1, $0x11  }
0xbd: {  	s0 =	sor.u32 s1, s0  }
0xbe: {  	s0 =	sadd.s32 $0x8F2B, s0  }
0xbf: {  	[sflag:s0] =	ssyncadd.remote.s32 $0x1  }
0xc0: {  	_ =	sfence.sel $0xFFFF  }
0xc1: {  	[dreg:$0x0] =	wrdreg $0xFFFFFFFF;
	(pc) =	sbr.abs _section_cstart, $3  }
0xc2: {  	[dreg:$0x1] =	wrdreg $0xFFFFFFFF  }
0xc3: {  	_ =	task.clear_ibuf [dreg:s8], $0x2FFFF;
	_ =	strace $0x9FFFFFFF  }
0xc4: {  	(tm) =	ssettm $0x7FFFFFFF  }
0xc5: {  	_ =	shalt  }
tec
execute0_lowered:
.L_overlay_start_1:
0x0: {  	(tag) =	ssettag $0x1  }
0x1: {  	s0 =	srdreg.scid;
	s2 =	stileid.u32  }
0x2: {  	s1 =	rddreg [dreg:$0x0];
	s5 =	simm.s32 $0x0;
	s12 =	simm.s32 $0x4B00  }
0x3: {  	s13 =	simm.s32 $0x5;
	s14 =	simm.s32 $0x52D0;
	s15 =	simm.s32 $0x80  }
0x4: {  	s16 =	simm.s32 $0x5AA0;
	s17 =	simm.s32 $0x9AA0;
	s18 =	simm.s32 $0x1  }
0x5: {  	s0 =	sand.u32 $0x1, s0;
	s3 =	sshll.u32 s2, $0x1;
	s2 =	rddreg [dreg:$0x1]  }
0x6: {  	[smem:$0x7FF] =	sst s5;
	s4 =	sor.u32 s0, s3;
	s0 =	ssub.s32 $0x2, s0  }
0x7: {  	s7 =	sadd.s32 $0x600, s1;
	s4 =	smul.u32 $0x1900, s4;
	s28 =	sshrl.u32 s0, $0x1  }
0x8: {  	s3 =	rddreg [dreg:$0x2];
	_ =	strace $0x80000047;
	s0 =	ssub.s32 s0, s28  }
0x9: {  	v0 =	vlaneseq.u32;
	[dreg:$0x4] =	wrdreg s7;
	s6 =	sshrl.u32 s4, $0x3;
	s0 =	smax.u32 s0, $0x1  }
0xa: {  	v0 =	vmul.u32 $0x88, v0;
	s6 =	sadd.s32 s6, s1;
	s1 =	sadd.s32 $0x400, s1;
	[dreg:$0x9] =	wrdreg s0  }
0xb: {  	s19 =	simm.s32 $0xDAA0;
	[dreg:$0x5] =	wrdreg s1;
	s29 =	sadd.s32 $0x800, s6  }
0xc: {  	s20 =	simm.s32 $0x4;
	v1 =	vadd.s32 $0x880, v0;
	s30 =	sadd.s32 $0x6C00, s6;
	[dreg:$0x6] =	wrdreg s29  }
0xd: {  	s21 =	simm.s32 $0x2;
	v2 =	vadd.s32 $0x1100, v0;
	v3 =	vadd.s32 $0x1980, v0;
	v4 =	vadd.s32 $0x2200, v0;
	s31 =	sadd.s32 $0xD000, s6;
	[dreg:$0x7] =	wrdreg s30  }
0xe: {  	s22 =	simm.s32 $0x123F0;
	s24 =	simm.s32 $0x0;
	v5 =	vadd.s32 $0x2A80, v0;
	v6 =	vadd.s32 $0x3300, v0;
	v7 =	vadd.s32 $0x3B80, v0;
	[dreg:$0x8] =	wrdreg s31  }
.LBB2_1:
0xf: {  	s0 =	rddreg [dreg:$0x4]  }
0x10: {  	[tilespmem:s12], [sflag:$0x5] =	stream.linear.gather [hbm4b:s0+s5], $0x7D0, $0x38;
	[tilespmem:$0x16D40] =	vst v63  }
0x11: {  	_ =	swait.ge [sflag:s13], $0x7D0  }
0x12: {  	[sflag:s13] =	ssyncset.done $0x0  }
0x13: {  	s23 =	rddreg [dreg:$0x5];
	[sflag:s13] =	ssyncadd.s32 $0xFFFFF830  }
0x14: {  	[tilespmem:s14], [sflag:$0x5] =	stream.linear.gather [hbm4b:s23+s5], $0x7D0, $0x38;
	[tilespmem:$0x16D40] =	vst v63  }
0x15: {  	_ =	swait.ge [sflag:s13], $0x7D0  }
0x16: {  	[sflag:s13] =	ssyncset.done $0x0  }
0x17: {  	s25 =	rddreg [dreg:$0x6];
	[sflag:s13] =	ssyncadd.s32 $0xFFFFF830  }
0x18: {  	[tilespmem:s5], [sflag:$0x5] =	stream.linear.gather [hbm4b:s25+s5], $0x1900, $0x38;
	[tilespmem:$0x16D40] =	vst v63  }
0x19: {  	_ =	swait.ge [sflag:s13], $0x1900  }
0x1a: {  	[sflag:s13] =	ssyncset.done $0x0  }
0x1b: {  	s25 =	simm.s32 $0x1900;
	s26 =	rddreg [dreg:$0x7];
	[sflag:s13] =	ssyncadd.s32 $0xFFFFE700  }
0x1c: {  	[tilespmem:s25], [sflag:$0x5] =	stream.linear.gather [hbm4b:s26+s5], $0x1900, $0x38;
	[tilespmem:$0x16D40] =	vst v63  }
0x1d: {  	_ =	swait.ge [sflag:s13], $0x1900  }
0x1e: {  	[sflag:s13] =	ssyncset.done $0x0  }
0x1f: {  	s26 =	simm.s32 $0x3200;
	s31 =	rddreg [dreg:$0x8];
	[sflag:s13] =	ssyncadd.s32 $0xFFFFE700  }
0x20: {  	[tilespmem:s26], [sflag:$0x5] =	stream.linear.gather [hbm4b:s31+s5], $0x1900, $0x38;
	[tilespmem:$0x16D40] =	vst v63  }
0x21: {  	_ =	swait.ge [sflag:s13], $0x1900  }
0x22: {  	s28 =	simm.s32 $0x3280;
	[sflag:s13] =	ssyncset.done $0x0  }
0x23: {  	s29 =	simm.s32 $0x1980;
	s30 =	simm.s32 $0x0;
	[sflag:s13] =	ssyncadd.s32 $0xFFFFE700  }
0x24: {  	[tilespmem:s16], [sflag:$0x1] =	stream.indirect.gather [hbm4b:s2+s15], $0x80, s5, s15, $0xb8;
	[tilespmem:$0x16D40] =	vst v63  }
.LBB2_2:
0x25: {  	s31 =	sshll.u32 s30, $0x8;
	p0 =	seq.s32 s30, $0x0  }
0x26: {  	v10 =	vmov s25;
	s1 =	sor.u32 $0x80, s31;
	s0 =	simm.s32 @!p0 $0x3  }
0x27: {  	[tilespmem:s17], [sflag:$0x2] =	stream.indirect.gather [hbm4b:s2+s15], $0x80, s1, s15, $0xb8;
	[tilespmem:$0x16D40] =	vst v63  }
0x28: {  	_ =	swait.ge @!p0 [sflag:s0], $0x4500  }
0x29: {  	[sflag:s0] =	ssyncset.done @!p0 $0x0  }
0x2a: {  	s7 =	simm.s32 $0x0;
	[sflag:s0] =	ssyncadd.s32 @!p0 $0xFFFFBB00  }
0x2b: {  	v8 =	vld.idx.msk [tilespmem:v10+s7+$0x10 ss:$0x1], $0xffff  }
0x2c: {  	v11 =	vmov s26;
	_ =	sdelay $0x3  }
0x2d: {  	v13 =	vmul.u32 $0x5, v8  }
0x2e: {  	v8 =	vld.idx.msk [tilespmem:v11+s7+$0x10 ss:$0x1], $0xffff;
	_ =	sdelay $0x3  }
0x2f: {  	v9 =	vld.idx.msk [tilespmem:v10+s7+$0x0 ss:$0x1], $0xffff  }
0x30: {  	v15 =	vmul.u32 $0x5, v8;
	v12 =	vld.idx.msk [tilespmem:v13+s12+$0x0], $0xffff;
	_ =	sdelay $0x3  }
0x31: {  	v14 =	vmul.u32 $0x5, v9  }
0x32: {  	v8 =	vld.idx.msk [tilespmem:v11+s7+$0x0 ss:$0x1], $0xffff;
	[tilespmem:s7+$0x11EB0] =	vst v12  }
0x33: {  	v9 =	vld.idx.msk [tilespmem:v15+s14+$0x0], $0xffff  }
0x34: {  	v12 =	vadd.s32 $0x1, v13  }
0x35: {  	s8 =	simm.s32 $0x20  }
0x36: {  	v16 =	vld.idx.msk [tilespmem:v10+s8+$0x10 ss:$0x1], $0xffff  }
0x37: {  	v17 =	vmul.u32 $0x5, v8;
	v8 =	vld.idx.msk [tilespmem:v14+s12+$0x0], $0xffff  }
0x38: {  	[tilespmem:s7+$0x12158] =	vst v9  }
0x39: {  	v12 =	vld.idx.msk [tilespmem:v12+s12+$0x0], $0xffff  }
0x3a: {  	v18 =	vadd.s32 $0x1, v15  }
0x3b: {  	v19 =	vld.idx.msk [tilespmem:v10+s8+$0x0 ss:$0x1], $0xffff;
	v9 =	vmul.u32 $0x5, v16  }
0x3c: {  	[tilespmem:s7+$0x11EA0] =	vst v8;
	v8 =	vld.idx.msk [tilespmem:v11+s8+$0x10 ss:$0x1], $0xffff  }
0x3d: {  	v16 =	vld.idx.msk [tilespmem:v17+s14+$0x0], $0xffff  }
0x3e: {  	[tilespmem:s7+$0x11F38] =	vst v12;
	v12 =	vadd.s32 $0x1, v14  }
0x3f: {  	v18 =	vld.idx.msk [tilespmem:v18+s14+$0x0], $0xffff  }
0x40: {  	v21 =	vld.idx.msk [tilespmem:v11+s8+$0x0 ss:$0x1], $0xffff;
	v19 =	vmul.u32 $0x5, v19;
	v20 =	vadd.s32 $0x2, v13  }
0x41: {  	v8 =	vmul.u32 $0x5, v8;
	v22 =	vld.idx.msk [tilespmem:v9+s12+$0x0], $0xffff  }
0x42: {  	[tilespmem:s7+$0x12148] =	vst v16  }
0x43: {  	v12 =	vld.idx.msk [tilespmem:v12+s12+$0x0], $0xffff  }
0x44: {  	v16 =	vadd.s32 $0x1, v17;
	[tilespmem:s7+$0x121E0] =	vst v18  }
0x45: {  	v18 =	vld.idx.msk [tilespmem:v20+s12+$0x0], $0xffff  }
0x46: {  	v23 =	vmul.u32 $0x5, v21;
	v21 =	vadd.s32 $0x2, v15;
	[tilespmem:s8+$0x11EB0] =	vst v22;
	v20 =	vld.idx.msk [tilespmem:v19+s12+$0x0], $0xffff  }
0x47: {  	v22 =	vld.idx.msk [tilespmem:v8+s14+$0x0], $0xffff  }
0x48: {  	[tilespmem:s7+$0x11F28] =	vst v12;
	v12 =	vadd.s32 $0x1, v9  }
0x49: {  	s9 =	simm.s32 $0x40;
	v16 =	vld.idx.msk [tilespmem:v16+s14+$0x0], $0xffff  }
0x4a: {  	v26 =	vld.idx.msk [tilespmem:v10+s9+$0x10 ss:$0x1], $0xffff;
	[tilespmem:s7+$0x11FC0] =	vst v18;
	v18 =	vadd.s32 $0x2, v14  }
0x4b: {  	[tilespmem:s8+$0x11EA0] =	vst v20;
	v20 =	vld.idx.msk [tilespmem:v21+s14+$0x0], $0xffff  }
0x4c: {  	v24 =	vadd.s32 $0x3, v13;
	[tilespmem:s8+$0x12158] =	vst v22;
	v21 =	vld.idx.msk [tilespmem:v23+s14+$0x0], $0xffff  }
0x4d: {  	v25 =	vadd.s32 $0x1, v19;
	v22 =	vld.idx.msk [tilespmem:v12+s12+$0x0], $0xffff  }
0x4e: {  	[tilespmem:s7+$0x121D0] =	vst v16;
	v16 =	vld.idx.msk [tilespmem:v10+s9+$0x0 ss:$0x1], $0xffff  }
0x4f: {  	v18 =	vld.idx.msk [tilespmem:v18+s12+$0x0], $0xffff  }
0x50: {  	v27 =	vadd.s32 $0x2, v17;
	[tilespmem:s7+$0x12268] =	vst v20  }
0x51: {  	v20 =	vadd.s32 $0x1, v8;
	[tilespmem:s8+$0x12148] =	vst v21;
	v21 =	vld.idx.msk [tilespmem:v24+s12+$0x0], $0xffff  }
0x52: {  	v12 =	vmul.u32 $0x5, v26;
	v24 =	vld.idx.msk [tilespmem:v25+s12+$0x0], $0xffff;
	v25 =	vadd.s32 $0x3, v15  }
0x53: {  	v26 =	vld.idx.msk [tilespmem:v11+s9+$0x10 ss:$0x1], $0xffff;
	[tilespmem:s8+$0x11F38] =	vst v22  }
0x54: {  	v29 =	vld.idx.msk [tilespmem:v11+s9+$0x0 ss:$0x1], $0xffff;
	v28 =	vadd.s32 $0x1, v23;
	v22 =	vmul.u32 $0x5, v16;
	[tilespmem:s7+$0x11FB0] =	vst v18  }
0x55: {  	v18 =	vld.idx.msk [tilespmem:v27+s14+$0x0], $0xffff  }
0x56: {  	v16 =	vld.idx.msk [tilespmem:v20+s14+$0x0], $0xffff;
	[tilespmem:s7+$0x12048] =	vst v21;
	v21 =	vadd.s32 $0x3, v14  }
0x57: {  	v20 =	vadd.s32 $0x2, v9;
	v25 =	vld.idx.msk [tilespmem:v25+s14+$0x0], $0xffff  }
0x58: {  	v30 =	vld.idx.msk [tilespmem:v12+s12+$0x0], $0xffff;
	v27 =	vadd.s32 $0x4, v13;
	v13 =	vmul.u32 $0x5, v26;
	[tilespmem:s8+$0x11F28] =	vst v24  }
0x59: {  	v24 =	vld.idx.msk [tilespmem:v28+s14+$0x0], $0xffff  }
0x5a: {  	v29 =	vmul.u32 $0x5, v29;
	v28 =	vadd.s32 $0x2, v19;
	v26 =	vld.idx.msk [tilespmem:v22+s12+$0x0], $0xffff;
	[tilespmem:s7+$0x12258] =	vst v18  }
0x5b: {  	[tilespmem:s8+$0x121E0] =	vst v16;
	v35 =	vld.idx.msk [tilespmem:v21+s12+$0x0], $0xffff  }
0x5c: {  	v36 =	vadd.s32 $0x3, v17;
	v18 =	vld.idx.msk [tilespmem:v20+s12+$0x0], $0xffff;
	[tilespmem:s7+$0x122F0] =	vst v25  }
0x5d: {  	v32 =	vadd.s32 $0x2, v8;
	[tilespmem:s9+$0x11EB0] =	vst v30;
	v37 =	vld.idx.msk [tilespmem:v27+s12+$0x0], $0xffff  }
0x5e: {  	v38 =	vadd.s32 $0x4, v15;
	v15 =	vadd.s32 $0x4, v23;
	v16 =	vadd.s32 $0x4, v14;
	v33 =	vld.idx.msk [tilespmem:v13+s14+$0x0], $0xffff;
	[tilespmem:s8+$0x121D0] =	vst v24  }
0x5f: {  	v14 =	vadd.s32 $0x4, v17;
	v17 =	vadd.s32 $0x4, v19;
	v21 =	vadd.s32 $0x3, v19;
	v31 =	vld.idx.msk [tilespmem:v28+s12+$0x0], $0xffff;
	[tilespmem:s9+$0x11EA0] =	vst v26  }
0x60: {  	v20 =	vadd.s32 $0x3, v23;
	v19 =	vadd.s32 $0x4, v22;
	v24 =	vadd.s32 $0x2, v23;
	v34 =	vld.idx.msk [tilespmem:v29+s14+$0x0], $0xffff;
	[tilespmem:s7+$0x12038] =	vst v35  }
0x61: {  	v25 =	vadd.s32 $0x2, v22;
	v23 =	vadd.s32 $0x3, v22;
	[tilespmem:s8+$0x11FC0] =	vst v18;
	v30 =	vld.idx.msk [tilespmem:v36+s14+$0x0], $0xffff;
	v36 =	vadd.s32 $0x1, v12  }
0x62: {  	s0 =	sadd.s32 s4, s31;
	v28 =	vadd.s32 $0x1, v22;
	v27 =	vadd.s32 $0x2, v29;
	v22 =	vadd.s32 $0x3, v29;
	v32 =	vld.idx.msk [tilespmem:v32+s14+$0x0], $0xffff;
	[tilespmem:s7+$0x120D0] =	vst v37  }
0x63: {  	s10 =	simm.s32 $0x4;
	s11 =	simm.s32 $0x180;
	s6 =	sand.u32 $0x7E000, s0;
	v26 =	vadd.s32 $0x1, v29;
	v18 =	vadd.s32 $0x4, v29;
	v35 =	vadd.s32 $0x3, v9;
	v29 =	vld.idx.msk [tilespmem:v38+s14+$0x0], $0xffff  }
.LBB2_3:
0x64: {  	[tilespmem:s8+$0x11FB0] =	vst v31;
	s23 =	smov.u32 s9;
	s9 =	sshra.s32 s11, $0x2  }
0x65: {  	s10 =	sadd.s32 $0x2, s10;
	v31 =	vld.idx.msk [tilespmem:v10+s9+$0x10 ss:$0x1], $0xffff;
	[tilespmem:s23+$0x12158] =	vst v33  }
0x66: {  	p1 =	slt.u32 s10, $0x6;
	[tilespmem:s23+$0x12148] =	vst v34;
	v33 =	vld.idx.msk [tilespmem:v36+s12+$0x0], $0xffff  }
0x67: {  	v34 =	vld.idx.msk [tilespmem:v10+s9+$0x0 ss:$0x1], $0xffff;
	[tilespmem:s8+$0x12268] =	vst v32  }
0x68: {  	v32 =	vadd.s32 $0x1, v13;
	v35 =	vld.idx.msk [tilespmem:v35+s12+$0x0], $0xffff;
	[tilespmem:s7+$0x122E0] =	vst v30  }
0x69: {  	v30 =	vld.idx.msk [tilespmem:v11+s9+$0x0 ss:$0x1], $0xffff;
	[tilespmem:s7+$0x12378] =	vst v29  }
0x6a: {  	v36 =	vadd.s32 $0x3, v8;
	v29 =	vld.idx.msk [tilespmem:v28+s12+$0x0], $0xffff  }
0x6b: {  	v37 =	vld.idx.msk [tilespmem:v24+s14+$0x0], $0xffff;
	v24 =	vmov v27  }
0x6c: {  	v31 =	vmul.u32 $0x5, v31;
	v38 =	vld.idx.msk [tilespmem:v11+s9+$0x10 ss:$0x1], $0xffff;
	[tilespmem:s23+$0x11F38] =	vst v33  }
0x6d: {  	v33 =	vmul.u32 $0x5, v34;
	v32 =	vld.idx.msk [tilespmem:v32+s14+$0x0], $0xffff  }
0x6e: {  	[tilespmem:s8+$0x12048] =	vst v35;
	v34 =	vld.idx.msk [tilespmem:v16+s12+$0x0], $0xffff;
	v16 =	vmov v17;
	v17 =	vmov v19  }
0x6f: {  	v30 =	vmul.u32 $0x5, v30;
	v28 =	vadd.s32 $0x1, v33;
	v35 =	vadd.s32 $0x2, v12;
	v36 =	vld.idx.msk [tilespmem:v36+s14+$0x0], $0xffff  }
0x70: {  	v39 =	vadd.s32 $0x2, v33;
	v40 =	vadd.s32 $0x3, v33;
	v19 =	vadd.s32 $0x4, v33;
	[tilespmem:s23+$0x11F28] =	vst v29  }
0x71: {  	v27 =	vadd.s32 $0x2, v30;
	v29 =	vld.idx.msk [tilespmem:v26+s14+$0x0], $0xffff;
	v26 =	vadd.s32 $0x1, v30;
	[tilespmem:s8+$0x12258] =	vst v37;
	v37 =	vadd.s32 $0x4, v9;
	v9 =	vmovc v12;
	v12 =	vmovc v31  }
0x72: {  	v41 =	vadd.s32 $0x3, v30;
	v42 =	vadd.s32 $0x4, v30;
	v31 =	vld.idx.msk [tilespmem:v31+s12+$0x0], $0xffff  }
0x73: {  	v38 =	vmul.u32 $0x5, v38;
	v33 =	vld.idx.msk [tilespmem:v33+s12+$0x0], $0xffff;
	[tilespmem:s23+$0x121E0] =	vst v32  }
0x74: {  	v32 =	vld.idx.msk [tilespmem:v35+s12+$0x0], $0xffff;
	[tilespmem:s7+$0x120C0] =	vst v34  }
0x75: {  	v35 =	vld.idx.msk [tilespmem:v21+s12+$0x0], $0xffff;
	[tilespmem:s8+$0x122F0] =	vst v36;
	v21 =	vmov v23;
	v23 =	vmov v40  }
0x76: {  	v40 =	vadd.s32 $0x2, v13;
	v37 =	vld.idx.msk [tilespmem:v37+s12+$0x0], $0xffff  }
0x77: {  	[tilespmem:s23+$0x121D0] =	vst v29;
	v43 =	vld.idx.msk [tilespmem:v14+s14+$0x0], $0xffff;
	v14 =	vmov v15;
	v15 =	vmov v18;
	v18 =	vmov v42  }
0x78: {  	v29 =	vadd.s32 $0x4, v8;
	v8 =	vmovc v13;
	v13 =	vmov v38;
	[tilespmem:s9+$0x11EB0] =	vst v31;
	v31 =	vld.idx.msk [tilespmem:v25+s12+$0x0], $0xffff;
	v25 =	vmov v39  }
.Ltmp0:
0x79: {  	[tilespmem:s9+$0x11EA0] =	vst v33;
	v33 =	vld.idx.msk [tilespmem:v38+s14+$0x0], $0xffff;
	(pc) =	sbr.rel @p1 .LBB2_3-.Ltmp0, $4  }
0x7a: {  	v34 =	vld.idx.msk [tilespmem:v30+s14+$0x0], $0xffff;
	[tilespmem:s23+$0x11FC0] =	vst v32  }
0x7b: {  	v36 =	vadd.s32 $0x1, v12;
	v32 =	vld.idx.msk [tilespmem:v40+s14+$0x0], $0xffff;
	[tilespmem:s8+$0x12038] =	vst v35  }
0x7c: {  	v30 =	vld.idx.msk [tilespmem:v20+s14+$0x0], $0xffff;
	[tilespmem:s8+$0x120D0] =	vst v37;
	v20 =	vmov v22;
	v22 =	vmov v41  }
0x7d: {  	s11 =	sadd.s32 $0x80, s11;
	v35 =	vadd.s32 $0x3, v9;
	v29 =	vld.idx.msk [tilespmem:v29+s14+$0x0], $0xffff;
	[tilespmem:s7+$0x12368] =	vst v43;
	s7 =	smov.u32 s8;
	s8 =	smov.u32 s23  }
0x7e: {  	_ =	sdelay $0x2  }
0x7f: {  	[tilespmem:s9+$0x12158] =	vst v33  }
0x80: {  	[tilespmem:s9+$0x12148] =	vst v34;
	v10 =	vld.idx.msk [tilespmem:v36+s12+$0x0], $0xffff  }
0x81: {  	v11 =	vadd.s32 $0x1, v13;
	v28 =	vld.idx.msk [tilespmem:v28+s12+$0x0], $0xffff;
	_ =	sdelay $0x3  }
0x82: {  	[tilespmem:s9+$0x11F38] =	vst v10  }
0x83: {  	v10 =	vld.idx.msk [tilespmem:v11+s14+$0x0], $0xffff;
	[tilespmem:s9+$0x11F28] =	vst v28  }
0x84: {  	v11 =	vadd.s32 $0x2, v12;
	v26 =	vld.idx.msk [tilespmem:v26+s14+$0x0], $0xffff;
	_ =	sdelay $0x3  }
0x85: {  	[tilespmem:s9+$0x121E0] =	vst v10  }
0x86: {  	v10 =	vld.idx.msk [tilespmem:v11+s12+$0x0], $0xffff;
	[tilespmem:s9+$0x121D0] =	vst v26  }
0x87: {  	v11 =	vadd.s32 $0x2, v13;
	v25 =	vld.idx.msk [tilespmem:v25+s12+$0x0], $0xffff;
	_ =	sdelay $0x1  }
0x88: {  	[tilespmem:s8+$0x11FB0] =	vst v31  }
0x89: {  	v24 =	vld.idx.msk [tilespmem:v24+s14+$0x0], $0xffff  }
0x8a: {  	[tilespmem:s9+$0x11FC0] =	vst v10  }
0x8b: {  	v10 =	vld.idx.msk [tilespmem:v11+s14+$0x0], $0xffff;
	[tilespmem:s9+$0x11FB0] =	vst v25  }
0x8c: {  	v11 =	vadd.s32 $0x3, v12;
	v25 =	vld.idx.msk [tilespmem:v27+s14+$0x0], $0xffff  }
0x8d: {  	[tilespmem:s8+$0x12268] =	vst v32  }
0x8e: {  	v48 =	vld.idx.msk [tilespmem:v35+s12+$0x0], $0xffff;
	[tilespmem:s8+$0x12258] =	vst v24  }
0x8f: {  	v49 =	vadd.s32 $0x3, v8;
	v21 =	vld.idx.msk [tilespmem:v21+s12+$0x0], $0xffff  }
0x90: {  	[tilespmem:s9+$0x12268] =	vst v10  }
0x91: {  	v10 =	vld.idx.msk [tilespmem:v11+s12+$0x0], $0xffff;
	[tilespmem:s9+$0x12258] =	vst v25  }
0x92: {  	v11 =	vadd.s32 $0x3, v13;
	v23 =	vld.idx.msk [tilespmem:v23+s12+$0x0], $0xffff  }
0x93: {  	[tilespmem:s8+$0x12048] =	vst v48  }
0x94: {  	v24 =	vld.idx.msk [tilespmem:v49+s14+$0x0], $0xffff;
	[tilespmem:s8+$0x12038] =	vst v21  }
0x95: {  	v9 =	vadd.s32 $0x4, v9;
	v20 =	vld.idx.msk [tilespmem:v20+s14+$0x0], $0xffff  }
0x96: {  	[tilespmem:s9+$0x12048] =	vst v10  }
0x97: {  	v10 =	vld.idx.msk [tilespmem:v11+s14+$0x0], $0xffff;
	[tilespmem:s9+$0x12038] =	vst v23  }
0x98: {  	v11 =	vadd.s32 $0x4, v12;
	v12 =	vld.idx.msk [tilespmem:v22+s14+$0x0], $0xffff  }
0x99: {  	[tilespmem:s8+$0x122F0] =	vst v24  }
0x9a: {  	v9 =	vld.idx.msk [tilespmem:v9+s12+$0x0], $0xffff;
	[tilespmem:s8+$0x122E0] =	vst v20  }
0x9b: {  	v8 =	vadd.s32 $0x4, v8;
	[tilespmem:s7+$0x122E0] =	vst v30;
	v17 =	vld.idx.msk [tilespmem:v17+s12+$0x0], $0xffff  }
0x9c: {  	v16 =	vld.idx.msk [tilespmem:v16+s12+$0x0], $0xffff;
	[tilespmem:s9+$0x122F0] =	vst v10  }
0x9d: {  	v10 =	vld.idx.msk [tilespmem:v11+s12+$0x0], $0xffff;
	[tilespmem:s9+$0x122E0] =	vst v12  }
0x9e: {  	v11 =	vadd.s32 $0x4, v13;
	v12 =	vld.idx.msk [tilespmem:v19+s12+$0x0], $0xffff  }
0x9f: {  	[tilespmem:s8+$0x120D0] =	vst v9  }
0xa0: {  	v8 =	vld.idx.msk [tilespmem:v8+s14+$0x0], $0xffff;
	[tilespmem:s8+$0x120C0] =	vst v17  }
0xa1: {  	[tilespmem:s7+$0x120C0] =	vst v16;
	v9 =	vld.idx.msk [tilespmem:v15+s14+$0x0], $0xffff  }
0xa2: {  	v13 =	vld.idx.msk [tilespmem:v14+s14+$0x0], $0xffff;
	[tilespmem:s9+$0x120D0] =	vst v10  }
0xa3: {  	v10 =	vld.idx.msk [tilespmem:v11+s14+$0x0], $0xffff;
	[tilespmem:s9+$0x120C0] =	vst v12  }
0xa4: {  	[tilespmem:s7+$0x12378] =	vst v29;
	v11 =	vld.idx.msk [tilespmem:v18+s14+$0x0], $0xffff  }
0xa5: {  	[tilespmem:s8+$0x12378] =	vst v8  }
0xa6: {  	[tilespmem:s8+$0x12368] =	vst v9  }
0xa7: {  	[tilespmem:s7+$0x12368] =	vst v13  }
0xa8: {  	[tilespmem:s9+$0x12378] =	vst v10  }
0xa9: {  	[tilespmem:s9+$0x12368] =	vst v11  }
0xaa: {  	s9 =	simm.s32 $0x3;
	_ =	swait.ge [sflag:s18], $0x4000  }
0xab: {  	s10 =	simm.s32 $0x0;
	v8 =	vmov s9;
	[sflag:s18] =	ssyncset.done $0x0  }
0xac: {  	s8 =	simm.s32 $0x5BA0;
	v9 =	vmov s10;
	v15 =	vand.u32 $0x7F, v8;
	[sflag:s18] =	ssyncadd.s32 $0xFFFFC000  }
0xad: {  	v12 =	vand.u32 $0x7C, v9;
	v9 =	vadd.s32 v0, v15;
	v8 =	vld [tilespmem:s8+$0x80]  }
0xae: {  	s11 =	simm.s32 $0x1;
	v11 =	vadd.s32 v0, v12;
	v10 =	vld [tilespmem:s8+$0xFFFFFF00]  }
0xaf: {  	s23 =	simm.s32 $0x2;
	v13 =	vmov s11  }
0xb0: {  	v14 =	vand.u32 $0x7D, v13;
	v13 =	vmov s23  }
0xb1: {  	v17 =	vadd.s32 v0, v14;
	v13 =	vand.u32 $0x7E, v13;
	v16 =	vld [tilespmem:s8+$0xFFFFFF80]  }
0xb2: {  	v19 =	vadd.s32 v0, v13;
	v18 =	vld [tilespmem:s8+$0x0];
	[tilespmem:v9+s19+$0x0] =	vst.idx.msk $0xffff, v8  }
0xb3: {  	[tilespmem:v11+s19+$0x0] =	vst.idx.msk $0xffff, v10;
	v9 =	vadd.s32 v1, v15;
	v8 =	vld [tilespmem:s8+$0x90]  }
0xb4: {  	v11 =	vadd.s32 v1, v12;
	v10 =	vld [tilespmem:s8+$0xFFFFFF10];
	_ =	sdelay $0x1  }
0xb5: {  	[tilespmem:v17+s19+$0x0] =	vst.idx.msk $0xffff, v16  }
0xb6: {  	v17 =	vadd.s32 v1, v14;
	[tilespmem:v19+s19+$0x0] =	vst.idx.msk $0xffff, v18;
	v16 =	vld [tilespmem:s8+$0xFFFFFF90]  }
0xb7: {  	v19 =	vadd.s32 v1, v13;
	v18 =	vld [tilespmem:s8+$0x10];
	[tilespmem:v9+s19+$0x0] =	vst.idx.msk $0xffff, v8  }
0xb8: {  	[tilespmem:v11+s19+$0x0] =	vst.idx.msk $0xffff, v10;
	v9 =	vadd.s32 v2, v15;
	v8 =	vld [tilespmem:s8+$0xA0]  }
0xb9: {  	v11 =	vadd.s32 v2, v12;
	v10 =	vld [tilespmem:s8+$0xFFFFFF20];
	_ =	sdelay $0x1  }
0xba: {  	[tilespmem:v17+s19+$0x0] =	vst.idx.msk $0xffff, v16  }
0xbb: {  	v17 =	vadd.s32 v2, v14;
	[tilespmem:v19+s19+$0x0] =	vst.idx.msk $0xffff, v18;
	v16 =	vld [tilespmem:s8+$0xFFFFFFA0]  }
0xbc: {  	v19 =	vadd.s32 v2, v13;
	v18 =	vld [tilespmem:s8+$0x20];
	[tilespmem:v9+s19+$0x0] =	vst.idx.msk $0xffff, v8  }
0xbd: {  	[tilespmem:v11+s19+$0x0] =	vst.idx.msk $0xffff, v10;
	v9 =	vadd.s32 v3, v15;
	v8 =	vld [tilespmem:s8+$0xB0]  }
0xbe: {  	v11 =	vadd.s32 v3, v12;
	v10 =	vld [tilespmem:s8+$0xFFFFFF30];
	_ =	sdelay $0x1  }
0xbf: {  	[tilespmem:v17+s19+$0x0] =	vst.idx.msk $0xffff, v16  }
0xc0: {  	v17 =	vadd.s32 v3, v14;
	[tilespmem:v19+s19+$0x0] =	vst.idx.msk $0xffff, v18;
	v16 =	vld [tilespmem:s8+$0xFFFFFFB0]  }
0xc1: {  	v19 =	vadd.s32 v3, v13;
	v18 =	vld [tilespmem:s8+$0x30];
	[tilespmem:v9+s19+$0x0] =	vst.idx.msk $0xffff, v8  }
0xc2: {  	[tilespmem:v11+s19+$0x0] =	vst.idx.msk $0xffff, v10;
	v9 =	vadd.s32 v4, v15;
	v8 =	vld [tilespmem:s8+$0xC0]  }
0xc3: {  	v11 =	vadd.s32 v4, v12;
	v10 =	vld [tilespmem:s8+$0xFFFFFF40];
	_ =	sdelay $0x1  }
0xc4: {  	[tilespmem:v17+s19+$0x0] =	vst.idx.msk $0xffff, v16  }
0xc5: {  	v17 =	vadd.s32 v4, v14;
	[tilespmem:v19+s19+$0x0] =	vst.idx.msk $0xffff, v18;
	v16 =	vld [tilespmem:s8+$0xFFFFFFC0]  }
0xc6: {  	s9 =	simm.s32 $0x7;
	v19 =	vadd.s32 v4, v13;
	v18 =	vld [tilespmem:s8+$0x40];
	[tilespmem:v9+s19+$0x0] =	vst.idx.msk $0xffff, v8  }
0xc7: {  	s10 =	simm.s32 $0x4;
	v21 =	vadd.s32 v5, v15;
	v8 =	vmov s9;
	[tilespmem:v11+s19+$0x0] =	vst.idx.msk $0xffff, v10;
	v20 =	vld [tilespmem:s8+$0xD0]  }
0xc8: {  	s11 =	simm.s32 $0x5;
	s7 =	simm.s32 $0x5DA0;
	v23 =	vadd.s32 v5, v12;
	v9 =	vmov s10;
	v11 =	vand.u32 $0x7F, v8;
	v22 =	vld [tilespmem:s8+$0xFFFFFF50]  }
0xc9: {  	s23 =	simm.s32 $0x6;
	v50 =	vld [tilespmem:s7+$0x80];
	v8 =	vand.u32 $0x7C, v9;
	v9 =	vmov s11;
	v51 =	vadd.s32 v0, v11  }
0xca: {  	[tilespmem:v17+s19+$0x0] =	vst.idx.msk $0xffff, v16;
	v16 =	vld [tilespmem:s7+$0xFFFFFF00];
	v17 =	vadd.s32 v0, v8;
	v10 =	vand.u32 $0x7D, v9;
	v9 =	vmov s23  }
0xcb: {  	[tilespmem:v19+s19+$0x0] =	vst.idx.msk $0xffff, v18;
	v18 =	vld [tilespmem:s7+$0xFFFFFF80];
	v19 =	vadd.s32 v0, v10;
	v9 =	vand.u32 $0x7E, v9  }
0xcc: {  	v52 =	vld [tilespmem:s7+$0x0];
	v53 =	vadd.s32 v0, v9;
	[tilespmem:v21+s19+$0x0] =	vst.idx.msk $0xffff, v20  }
0xcd: {  	[tilespmem:v23+s19+$0x0] =	vst.idx.msk $0xffff, v22;
	v21 =	vadd.s32 v6, v15;
	v20 =	vld [tilespmem:s8+$0xE0]  }
0xce: {  	v22 =	vld [tilespmem:s8+$0xFFFFFFD0];
	v23 =	vadd.s32 v5, v14;
	[tilespmem:v51+s19+$0x0] =	vst.idx.msk $0xffff, v50  }
0xcf: {  	[tilespmem:v17+s19+$0x0] =	vst.idx.msk $0xffff, v16;
	v17 =	vadd.s32 v1, v11;
	v16 =	vld [tilespmem:s7+$0x90]  }
0xd0: {  	v55 =	vadd.s32 v1, v8;
	v54 =	vld [tilespmem:s7+$0xFFFFFF10];
	[tilespmem:v19+s19+$0x0] =	vst.idx.msk $0xffff, v18  }
0xd1: {  	v19 =	vadd.s32 v1, v10;
	v18 =	vld [tilespmem:s7+$0xFFFFFF90];
	[tilespmem:v53+s19+$0x0] =	vst.idx.msk $0xffff, v52  }
0xd2: {  	v56 =	vadd.s32 v1, v9;
	v26 =	vld [tilespmem:s7+$0x10];
	[tilespmem:v21+s19+$0x0] =	vst.idx.msk $0xffff, v20  }
0xd3: {  	v15 =	vadd.s32 v7, v15;
	[tilespmem:v23+s19+$0x0] =	vst.idx.msk $0xffff, v22;
	v20 =	vld [tilespmem:s8+$0xF0]  }
0xd4: {  	[tilespmem:v17+s19+$0x0] =	vst.idx.msk $0xffff, v16;
	v16 =	vld [tilespmem:s8+$0x50];
	v17 =	vadd.s32 v5, v13  }
0xd5: {  	v22 =	vadd.s32 v2, v11;
	[tilespmem:v55+s19+$0x0] =	vst.idx.msk $0xffff, v54;
	v21 =	vld [tilespmem:s7+$0xA0]  }
0xd6: {  	v57 =	vadd.s32 v2, v8;
	v23 =	vld [tilespmem:s7+$0xFFFFFF20];
	[tilespmem:v19+s19+$0x0] =	vst.idx.msk $0xffff, v18  }
0xd7: {  	v19 =	vadd.s32 v2, v10;
	v18 =	vld [tilespmem:s7+$0xFFFFFFA0];
	[tilespmem:v56+s19+$0x0] =	vst.idx.msk $0xffff, v26  }
0xd8: {  	v59 =	vadd.s32 v2, v9;
	v58 =	vld [tilespmem:s7+$0x20];
	[tilespmem:v15+s19+$0x0] =	vst.idx.msk $0xffff, v20  }
0xd9: {  	v15 =	vld [tilespmem:s8+$0xFFFFFFE0];
	v20 =	vadd.s32 v6, v14;
	[tilespmem:v17+s19+$0x0] =	vst.idx.msk $0xffff, v16  }
0xda: {  	v17 =	vadd.s32 v6, v13;
	[tilespmem:v22+s19+$0x0] =	vst.idx.msk $0xffff, v21;
	v16 =	vld [tilespmem:s8+$0x60]  }
0xdb: {  	[tilespmem:v57+s19+$0x0] =	vst.idx.msk $0xffff, v23;
	v22 =	vadd.s32 v3, v11;
	v21 =	vld [tilespmem:s7+$0xB0]  }
0xdc: {  	v60 =	vadd.s32 v3, v8;
	v23 =	vld [tilespmem:s7+$0xFFFFFF30];
	[tilespmem:v19+s19+$0x0] =	vst.idx.msk $0xffff, v18  }
0xdd: {  	v19 =	vadd.s32 v3, v10;
	v18 =	vld [tilespmem:s7+$0xFFFFFFB0];
	[tilespmem:v59+s19+$0x0] =	vst.idx.msk $0xffff, v58  }
0xde: {  	v61 =	vadd.s32 v3, v9;
	v25 =	vld [tilespmem:s7+$0x30];
	[tilespmem:v20+s19+$0x0] =	vst.idx.msk $0xffff, v15  }
0xdf: {  	v62 =	vadd.s32 v6, v12;
	v15 =	vld [tilespmem:s8+$0xFFFFFF60];
	[tilespmem:v17+s19+$0x0] =	vst.idx.msk $0xffff, v16  }
0xe0: {  	v14 =	vadd.s32 v7, v14;
	v16 =	vld [tilespmem:s8+$0xFFFFFFF0];
	[tilespmem:v22+s19+$0x0] =	vst.idx.msk $0xffff, v21  }
0xe1: {  	v63 =	vadd.s32 v4, v11;
	[tilespmem:v60+s19+$0x0] =	vst.idx.msk $0xffff, v23;
	v23 =	vld [tilespmem:s7+$0xC0]  }
0xe2: {  	v22 =	vadd.s32 v4, v8;
	v20 =	vld [tilespmem:s7+$0xFFFFFF40];
	[tilespmem:v19+s19+$0x0] =	vst.idx.msk $0xffff, v18  }
0xe3: {  	v21 =	vadd.s32 v4, v10;
	v18 =	vld [tilespmem:s7+$0xFFFFFFC0];
	[tilespmem:v61+s19+$0x0] =	vst.idx.msk $0xffff, v25  }
0xe4: {  	v19 =	vadd.s32 v4, v9;
	v17 =	vld [tilespmem:s7+$0x40];
	[tilespmem:v62+s19+$0x0] =	vst.idx.msk $0xffff, v15  }
0xe5: {  	s9 =	simm.s32 $0x8;
	v13 =	vadd.s32 v7, v13;
	[tilespmem:v14+s19+$0x0] =	vst.idx.msk $0xffff, v16;
	v14 =	vld [tilespmem:s8+$0x70]  }
0xe6: {  	s10 =	simm.s32 $0xC;
	s11 =	simm.s32 $0xB;
	v15 =	vld [tilespmem:s8+$0xFFFFFF70];
	v16 =	vadd.s32 v7, v12;
	s8 =	simm.s32 $0x5DA0;
	[tilespmem:v63+s19+$0x0] =	vst.idx.msk $0xffff, v23  }
.LBB2_5:
0xe7: {  	p1 =	slt.u32 s10, $0x7C;
	v12 =	vmov s11;
	[tilespmem:v22+s19+$0x0] =	vst.idx.msk $0xffff, v20;
	v20 =	vld [tilespmem:s7+$0xD0];
	v22 =	vadd.s32 v5, v11  }
0xe8: {  	v23 =	vmov s9;
	s11 =	sadd.s32 $0x1, s9;
	v26 =	vadd.s32 v5, v8;
	s7 =	sadd.s32 $0x200, s7;
	v24 =	vand.u32 $0x7F, v12;
	v25 =	vld [tilespmem:s8+$0xFFFFFF50];
	[tilespmem:v21+s19+$0x0] =	vst.idx.msk $0xffff, v18  }
0xe9: {  	v12 =	vand.u32 $0x7C, v23;
	v18 =	vmov s11;
	s11 =	sadd.s32 $0x2, s9;
	s9 =	smov.u32 s10;
	v21 =	vld [tilespmem:s7+$0x80];
	v23 =	vadd.s32 v0, v24;
	[tilespmem:v19+s19+$0x0] =	vst.idx.msk $0xffff, v17  }
0xea: {  	v19 =	vadd.s32 v0, v12;
	v18 =	vand.u32 $0x7D, v18;
	v27 =	vmov s11;
	v17 =	vld [tilespmem:s7+$0xFFFFFF00];
	[tilespmem:v13+s19+$0x0] =	vst.idx.msk $0xffff, v14  }
0xeb: {  	v14 =	vadd.s32 v0, v18;
	v27 =	vand.u32 $0x7E, v27;
	v13 =	vld [tilespmem:s7+$0xFFFFFF80];
	[tilespmem:v16+s19+$0x0] =	vst.idx.msk $0xffff, v15  }
0xec: {  	v16 =	vadd.s32 v0, v27;
	v15 =	vld [tilespmem:s7+$0x0];
	[tilespmem:v22+s19+$0x0] =	vst.idx.msk $0xffff, v20  }
0xed: {  	v22 =	vadd.s32 v6, v11;
	[tilespmem:v26+s19+$0x0] =	vst.idx.msk $0xffff, v25;
	v20 =	vld [tilespmem:s8+$0xE0]  }
0xee: {  	[tilespmem:v23+s19+$0x0] =	vst.idx.msk $0xffff, v21;
	v21 =	vld [tilespmem:s8+$0xFFFFFFD0];
	v23 =	vadd.s32 v5, v10  }
0xef: {  	[tilespmem:v19+s19+$0x0] =	vst.idx.msk $0xffff, v17;
	v17 =	vld [tilespmem:s7+$0x90];
	v19 =	vadd.s32 v1, v24  }
0xf0: {  	v26 =	vadd.s32 v1, v12;
	v25 =	vld [tilespmem:s7+$0xFFFFFF10];
	[tilespmem:v14+s19+$0x0] =	vst.idx.msk $0xffff, v13  }
0xf1: {  	v14 =	vadd.s32 v1, v18;
	v13 =	vld [tilespmem:s7+$0xFFFFFF90];
	[tilespmem:v16+s19+$0x0] =	vst.idx.msk $0xffff, v15  }
0xf2: {  	v16 =	vadd.s32 v1, v27;
	v15 =	vld [tilespmem:s7+$0x10];
	[tilespmem:v22+s19+$0x0] =	vst.idx.msk $0xffff, v20  }
0xf3: {  	[tilespmem:v23+s19+$0x0] =	vst.idx.msk $0xffff, v21;
	v20 =	vld [tilespmem:s8+$0xF0];
	v21 =	vadd.s32 v7, v11;
	v11 =	vmov v24  }
0xf4: {  	[tilespmem:v19+s19+$0x0] =	vst.idx.msk $0xffff, v17;
	v17 =	vld [tilespmem:s8+$0x50];
	v19 =	vadd.s32 v5, v9  }
0xf5: {  	v23 =	vadd.s32 v2, v11;
	[tilespmem:v26+s19+$0x0] =	vst.idx.msk $0xffff, v25;
	v22 =	vld [tilespmem:s7+$0xA0]  }
0xf6: {  	v25 =	vadd.s32 v2, v12;
	v24 =	vld [tilespmem:s7+$0xFFFFFF20];
	[tilespmem:v14+s19+$0x0] =	vst.idx.msk $0xffff, v13  }
0xf7: {  	v14 =	vadd.s32 v2, v18;
	v13 =	vld [tilespmem:s7+$0xFFFFFFA0];
	[tilespmem:v16+s19+$0x0] =	vst.idx.msk $0xffff, v15  }
0xf8: {  	v16 =	vadd.s32 v2, v27;
	v15 =	vld [tilespmem:s7+$0x20];
	[tilespmem:v21+s19+$0x0] =	vst.idx.msk $0xffff, v20  }
0xf9: {  	v21 =	vadd.s32 v6, v10;
	v20 =	vld [tilespmem:s8+$0xFFFFFFE0];
	[tilespmem:v19+s19+$0x0] =	vst.idx.msk $0xffff, v17  }
0xfa: {  	v19 =	vadd.s32 v6, v9;
	[tilespmem:v23+s19+$0x0] =	vst.idx.msk $0xffff, v22;
	v17 =	vld [tilespmem:s8+$0x60]  }
0xfb: {  	v23 =	vadd.s32 v3, v11;
	[tilespmem:v25+s19+$0x0] =	vst.idx.msk $0xffff, v24;
	v22 =	vld [tilespmem:s7+$0xB0]  }
0xfc: {  	v25 =	vadd.s32 v3, v12;
	v24 =	vld [tilespmem:s7+$0xFFFFFF30];
	[tilespmem:v14+s19+$0x0] =	vst.idx.msk $0xffff, v13  }
0xfd: {  	v14 =	vadd.s32 v3, v18;
	v13 =	vld [tilespmem:s7+$0xFFFFFFB0];
	[tilespmem:v16+s19+$0x0] =	vst.idx.msk $0xffff, v15  }
0xfe: {  	v16 =	vadd.s32 v3, v27;
	v15 =	vld [tilespmem:s7+$0x30];
	[tilespmem:v21+s19+$0x0] =	vst.idx.msk $0xffff, v20  }
0xff: {  	v28 =	vadd.s32 v6, v8;
	v26 =	vld [tilespmem:s8+$0xFFFFFF60];
	[tilespmem:v19+s19+$0x0] =	vst.idx.msk $0xffff, v17  }
0x100: {  	v29 =	vadd.s32 v7, v10;
	v10 =	vmov v18;
	[tilespmem:v23+s19+$0x0] =	vst.idx.msk $0xffff, v22;
	v23 =	vld [tilespmem:s8+$0xFFFFFFF0]  }
0x101: {  	[tilespmem:v25+s19+$0x0] =	vst.idx.msk $0xffff, v24;
	v24 =	vld [tilespmem:s7+$0xC0];
	v25 =	vadd.s32 v4, v11  }
.Ltmp1:
0x102: {  	v22 =	vadd.s32 v4, v12;
	v20 =	vld [tilespmem:s7+$0xFFFFFF40];
	[tilespmem:v14+s19+$0x0] =	vst.idx.msk $0xffff, v13;
	(pc) =	sbr.rel @p1 .LBB2_5-.Ltmp1, $4  }
0x103: {  	v21 =	vadd.s32 v4, v10;
	v18 =	vld [tilespmem:s7+$0xFFFFFFC0];
	[tilespmem:v16+s19+$0x0] =	vst.idx.msk $0xffff, v15  }
0x104: {  	v19 =	vadd.s32 v4, v27;
	v17 =	vld [tilespmem:s7+$0x40];
	[tilespmem:v28+s19+$0x0] =	vst.idx.msk $0xffff, v26  }
0x105: {  	v13 =	vadd.s32 v7, v9;
	v9 =	vmov v27;
	[tilespmem:v29+s19+$0x0] =	vst.idx.msk $0xffff, v23;
	v14 =	vld [tilespmem:s8+$0x70]  }
0x106: {  	s10 =	sadd.s32 $0x4, s10;
	s11 =	sadd.s32 $0x3, s9;
	v16 =	vadd.s32 v7, v8;
	v8 =	vmov v12;
	[tilespmem:v25+s19+$0x0] =	vst.idx.msk $0xffff, v24;
	v15 =	vld [tilespmem:s8+$0xFFFFFF70];
	s8 =	smov.u32 s7  }
0x107: {  	_ =	sdelay $0x1  }
0x108: {  	v12 =	vmov s11  }
0x109: {  	s23 =	sadd.s32 $0x1, s9;
	s10 =	sadd.s32 $0x200, s7;
	v27 =	vmov s9;
	v12 =	vand.u32 $0x7F, v12  }
0x10a: {  	[tilespmem:v22+s19+$0x0] =	vst.idx.msk $0xffff, v20;
	v23 =	vmov s23;
	s23 =	sadd.s32 $0x2, s9;
	v25 =	vld [tilespmem:s10+$0x80];
	v20 =	vand.u32 $0x7C, v27;
	v26 =	vadd.s32 v0, v12  }
0x10b: {  	v35 =	vld [tilespmem:s10+$0xFFFFFF00];
	v24 =	vmov s23;
	v23 =	vand.u32 $0x7D, v23;
	v36 =	vadd.s32 v0, v20  }
0x10c: {  	v28 =	vld [tilespmem:s10+$0xFFFFFF80];
	v29 =	vadd.s32 v0, v23;
	v24 =	vand.u32 $0x7E, v24  }
0x10d: {  	v33 =	vld [tilespmem:s10+$0x0];
	[tilespmem:v21+s19+$0x0] =	vst.idx.msk $0xffff, v18;
	v34 =	vadd.s32 v0, v24  }
0x10e: {  	[tilespmem:v19+s19+$0x0] =	vst.idx.msk $0xffff, v17  }
0x10f: {  	[tilespmem:v26+s19+$0x0] =	vst.idx.msk $0xffff, v25  }
0x110: {  	v38 =	vadd.s32 v1, v12;
	[tilespmem:v36+s19+$0x0] =	vst.idx.msk $0xffff, v35;
	v37 =	vld [tilespmem:s10+$0x90]  }
0x111: {  	v44 =	vadd.s32 v1, v20;
	[tilespmem:v29+s19+$0x0] =	vst.idx.msk $0xffff, v28;
	v43 =	vld [tilespmem:s10+$0xFFFFFF10]  }
0x112: {  	v40 =	vadd.s32 v1, v23;
	v39 =	vld [tilespmem:s10+$0xFFFFFF90];
	[tilespmem:v34+s19+$0x0] =	vst.idx.msk $0xffff, v33  }
0x113: {  	[tilespmem:v13+s19+$0x0] =	vst.idx.msk $0xffff, v14;
	v42 =	vadd.s32 v1, v24;
	v41 =	vld [tilespmem:s10+$0x10]  }
0x114: {  	v45 =	vld [tilespmem:s7+$0xD0];
	v46 =	vadd.s32 v5, v11;
	[tilespmem:v16+s19+$0x0] =	vst.idx.msk $0xffff, v15  }
0x115: {  	v48 =	vadd.s32 v5, v8;
	v47 =	vld [tilespmem:s8+$0xFFFFFF50];
	[tilespmem:v38+s19+$0x0] =	vst.idx.msk $0xffff, v37  }
0x116: {  	v49 =	vadd.s32 v2, v12;
	[tilespmem:v44+s19+$0x0] =	vst.idx.msk $0xffff, v43;
	v17 =	vld [tilespmem:s10+$0xA0]  }
0x117: {  	v54 =	vadd.s32 v2, v20;
	[tilespmem:v40+s19+$0x0] =	vst.idx.msk $0xffff, v39;
	v53 =	vld [tilespmem:s10+$0xFFFFFF20]  }
0x118: {  	v50 =	vadd.s32 v2, v23;
	v25 =	vld [tilespmem:s10+$0xFFFFFFA0];
	[tilespmem:v42+s19+$0x0] =	vst.idx.msk $0xffff, v41  }
0x119: {  	v52 =	vadd.s32 v2, v24;
	[tilespmem:v46+s19+$0x0] =	vst.idx.msk $0xffff, v45;
	v51 =	vld [tilespmem:s10+$0x20]  }
0x11a: {  	v58 =	vadd.s32 v5, v10;
	v57 =	vld [tilespmem:s8+$0xFFFFFFD0];
	[tilespmem:v48+s19+$0x0] =	vst.idx.msk $0xffff, v47  }
0x11b: {  	v31 =	vadd.s32 v5, v9;
	v30 =	vld [tilespmem:s8+$0x50];
	[tilespmem:v49+s19+$0x0] =	vst.idx.msk $0xffff, v17  }
0x11c: {  	v59 =	vadd.s32 v3, v12;
	[tilespmem:v54+s19+$0x0] =	vst.idx.msk $0xffff, v53;
	v17 =	vld [tilespmem:s10+$0xB0]  }
0x11d: {  	v63 =	vadd.s32 v3, v20;
	[tilespmem:v50+s19+$0x0] =	vst.idx.msk $0xffff, v25;
	v62 =	vld [tilespmem:s10+$0xFFFFFF30]  }
0x11e: {  	v60 =	vadd.s32 v3, v23;
	v25 =	vld [tilespmem:s10+$0xFFFFFFB0];
	[tilespmem:v52+s19+$0x0] =	vst.idx.msk $0xffff, v51  }
0x11f: {  	v61 =	vadd.s32 v3, v24;
	[tilespmem:v58+s19+$0x0] =	vst.idx.msk $0xffff, v57;
	v13 =	vld [tilespmem:s10+$0x30]  }
0x120: {  	v56 =	vadd.s32 v6, v11;
	v55 =	vld [tilespmem:s8+$0xE0];
	[tilespmem:v31+s19+$0x0] =	vst.idx.msk $0xffff, v30  }
0x121: {  	v48 =	vadd.s32 v6, v8;
	v47 =	vld [tilespmem:s8+$0xFFFFFF60];
	[tilespmem:v59+s19+$0x0] =	vst.idx.msk $0xffff, v17  }
0x122: {  	v32 =	vadd.s32 v4, v12;
	[tilespmem:v63+s19+$0x0] =	vst.idx.msk $0xffff, v62;
	v17 =	vld [tilespmem:s10+$0xC0]  }
0x123: {  	v36 =	vadd.s32 v4, v20;
	[tilespmem:v60+s19+$0x0] =	vst.idx.msk $0xffff, v25;
	v35 =	vld [tilespmem:s10+$0xFFFFFF40]  }
0x124: {  	v33 =	vadd.s32 v4, v23;
	v25 =	vld [tilespmem:s10+$0xFFFFFFC0];
	[tilespmem:v61+s19+$0x0] =	vst.idx.msk $0xffff, v13  }
0x125: {  	v34 =	vadd.s32 v4, v24;
	[tilespmem:v56+s19+$0x0] =	vst.idx.msk $0xffff, v55;
	v13 =	vld [tilespmem:s10+$0x40]  }
0x126: {  	v29 =	vadd.s32 v7, v11;
	v28 =	vld [tilespmem:s8+$0xF0];
	[tilespmem:v48+s19+$0x0] =	vst.idx.msk $0xffff, v47  }
0x127: {  	v37 =	vld [tilespmem:s8+$0xFFFFFFE0];
	v38 =	vadd.s32 v6, v10;
	[tilespmem:v32+s19+$0x0] =	vst.idx.msk $0xffff, v17  }
0x128: {  	v40 =	vadd.s32 v5, v12;
	[tilespmem:v36+s19+$0x0] =	vst.idx.msk $0xffff, v35;
	v17 =	vld [tilespmem:s10+$0xD0]  }
0x129: {  	v46 =	vadd.s32 v5, v20;
	[tilespmem:v33+s19+$0x0] =	vst.idx.msk $0xffff, v25;
	v45 =	vld [tilespmem:s10+$0xFFFFFF50]  }
0x12a: {  	v42 =	vadd.s32 v5, v23;
	[tilespmem:v34+s19+$0x0] =	vst.idx.msk $0xffff, v13;
	v41 =	vld [tilespmem:s10+$0xFFFFFFD0]  }
0x12b: {  	v44 =	vadd.s32 v5, v24;
	[tilespmem:v29+s19+$0x0] =	vst.idx.msk $0xffff, v28;
	v43 =	vld [tilespmem:s10+$0x50]  }
0x12c: {  	v8 =	vadd.s32 v7, v8;
	v57 =	vld [tilespmem:s8+$0xFFFFFF70];
	[tilespmem:v38+s19+$0x0] =	vst.idx.msk $0xffff, v37  }
0x12d: {  	v21 =	vld [tilespmem:s8+$0x60];
	v39 =	vadd.s32 v6, v9;
	[tilespmem:v40+s19+$0x0] =	vst.idx.msk $0xffff, v17  }
0x12e: {  	v51 =	vadd.s32 v6, v12;
	[tilespmem:v46+s19+$0x0] =	vst.idx.msk $0xffff, v45;
	v17 =	vld [tilespmem:s10+$0xE0]  }
0x12f: {  	v54 =	vadd.s32 v6, v20;
	[tilespmem:v42+s19+$0x0] =	vst.idx.msk $0xffff, v41;
	v16 =	vld [tilespmem:s10+$0xFFFFFF60]  }
0x130: {  	v52 =	vadd.s32 v6, v23;
	v13 =	vld [tilespmem:s10+$0xFFFFFFE0];
	[tilespmem:v44+s19+$0x0] =	vst.idx.msk $0xffff, v43  }
0x131: {  	[tilespmem:v8+s19+$0x0] =	vst.idx.msk $0xffff, v57;
	v53 =	vadd.s32 v6, v24;
	v11 =	vld [tilespmem:s10+$0x60]  }
0x132: {  	[tilespmem:v39+s19+$0x0] =	vst.idx.msk $0xffff, v21;
	v49 =	vld [tilespmem:s8+$0xFFFFFFF0];
	v50 =	vadd.s32 v7, v10  }
0x133: {  	v56 =	vadd.s32 v7, v9;
	v55 =	vld [tilespmem:s8+$0x70];
	[tilespmem:v51+s19+$0x0] =	vst.idx.msk $0xffff, v17  }
0x134: {  	v12 =	vadd.s32 v7, v12;
	[tilespmem:v54+s19+$0x0] =	vst.idx.msk $0xffff, v16;
	v17 =	vld [tilespmem:s10+$0xF0]  }
0x135: {  	v63 =	vadd.s32 v7, v20;
	[tilespmem:v52+s19+$0x0] =	vst.idx.msk $0xffff, v13;
	v62 =	vld [tilespmem:s10+$0xFFFFFF70]  }
0x136: {  	v59 =	vadd.s32 v7, v23;
	[tilespmem:v53+s19+$0x0] =	vst.idx.msk $0xffff, v11;
	v58 =	vld [tilespmem:s10+$0xFFFFFFF0]  }
0x137: {  	[tilespmem:v50+s19+$0x0] =	vst.idx.msk $0xffff, v49;
	v61 =	vadd.s32 v7, v24;
	v60 =	vld [tilespmem:s10+$0x70];
	s10 =	sshll.u32 s0, $0x3  }
0x138: {  	s11 =	sshrl.u32 s0, $0x3;
	[tilespmem:v56+s19+$0x0] =	vst.idx.msk $0xffff, v55;
	s7 =	sand.u32 $0x1800, s10  }
0x139: {  	s0 =	sand.u32 $0x380, s11;
	s6 =	sor.u32 s6, s7;
	[tilespmem:v12+s19+$0x0] =	vst.idx.msk $0xffff, v17  }
0x13a: {  	s0 =	sor.u32 s0, s6;
	[tilespmem:v63+s19+$0x0] =	vst.idx.msk $0xffff, v62  }
0x13b: {  	[tilespmem:v59+s19+$0x0] =	vst.idx.msk $0xffff, v58;
	s0 =	sshrl.u32 s0, $0x3  }
0x13c: {  	s23 =	simm.s32 $0xDAA0;
	s6 =	simm.s32 $0x220;
	[tilespmem:v61+s19+$0x0] =	vst.idx.msk $0xffff, v60;
	s0 =	sadd.s32 s3, s0  }
0x13d: {  	[hbm4b:s0+s5] =	stream.linear.scatter [tilespmem:s23], [sflag:$0x3], $0x80, $0x38;
	[tilespmem:$0x16D40] =	vst v63  }
.LBB2_7:
0x13e: {  	p1 =	sne.s32 s6, $0x12320  }
.Ltmp2:
0x13f: {  	_ = 	snop;
	(pc) =	sbr.rel @p1 .LBB2_7-.Ltmp2, $4  }
0x140: {  	_ = 	snop  }
0x141: {  	s7 =	sshra.s32 s6, $0x2;
	s6 =	sadd.s32 $0x220, s6  }
0x142: {  	s0 =	sadd.s32 $0x6400, s0;
	s7 =	sadd.s32 $0xDAA0, s7  }
0x143: {  	[hbm4b:s0+s5] =	stream.linear.scatter [tilespmem:s7], [sflag:$0x3], $0x80, $0x38;
	[tilespmem:$0x16D40] =	vst v63  }
0x144: {  	p1 =	sne.s32 s30, $0x18  }
.Ltmp3:
0x145: {  	_ = 	snop;
	(pc) =	sbr.rel @p1 .LBB2_10-.Ltmp3, $2  }
0x146: {  	_ =	sdelay $0x2  }
0x147: {  	s0 =	sadd.s32 s4, s1  }
.Ltmp4:
0x148: {  	(pc) =	sbr.rel .LBB2_11-.Ltmp4, $3  }
0x149: {  	_ =	sdelay $0x1  }
0x14a: {  	s0 =	sadd.s32 s4, s1  }
0x14b: {  	s1 =	sand.u32 $0x7E000, s0  }
.LBB2_10:
.Ltmp5:
0x14c: {  	(pc) =	sbr.rel @p0 .LBB2_12-.Ltmp5, $4  }
0x14d: {  	s1 =	sand.u32 $0x3FFFFF00, s31  }
0x14e: {  	s1 =	sadd.s32 $0x100, s1  }
0x14f: {  	[tilespmem:s16], [sflag:$0x1] =	stream.indirect.gather [hbm4b:s2+s15], $0x80, s1, s15, $0xb8;
	[tilespmem:$0x16D40] =	vst v63  }
0x150: {  	s1 =	sand.u32 $0x7E000, s0  }
.LBB2_11:
0x151: {  	_ =	swait.ge [sflag:s20], $0x4500  }
0x152: {  	[sflag:s20] =	ssyncset.done $0x0  }
0x153: {  	[sflag:s20] =	ssyncadd.s32 $0xFFFFBB00  }
.LBB2_12:
0x154: {  	v10 =	vmov s29;
	_ =	sdelay $0x3  }
0x155: {  	s6 =	simm.s32 $0x0  }
0x156: {  	v8 =	vld.idx.msk [tilespmem:v10+s6+$0x10 ss:$0x1], $0xffff  }
0x157: {  	v11 =	vmov s28;
	_ =	sdelay $0x3  }
0x158: {  	v13 =	vmul.u32 $0x5, v8  }
0x159: {  	v8 =	vld.idx.msk [tilespmem:v11+s6+$0x10 ss:$0x1], $0xffff;
	_ =	sdelay $0x3  }
0x15a: {  	v9 =	vld.idx.msk [tilespmem:v10+s6+$0x0 ss:$0x1], $0xffff  }
0x15b: {  	v15 =	vmul.u32 $0x5, v8;
	v12 =	vld.idx.msk [tilespmem:v13+s12+$0x0], $0xffff;
	_ =	sdelay $0x3  }
0x15c: {  	v14 =	vmul.u32 $0x5, v9  }
0x15d: {  	v8 =	vld.idx.msk [tilespmem:v11+s6+$0x0 ss:$0x1], $0xffff;
	[tilespmem:s6+$0x16800] =	vst v12  }
0x15e: {  	v9 =	vld.idx.msk [tilespmem:v15+s14+$0x0], $0xffff  }
0x15f: {  	v12 =	vadd.s32 $0x1, v13  }
0x160: {  	s7 =	simm.s32 $0x20  }
0x161: {  	v16 =	vld.idx.msk [tilespmem:v10+s7+$0x10 ss:$0x1], $0xffff  }
0x162: {  	v17 =	vmul.u32 $0x5, v8;
	v8 =	vld.idx.msk [tilespmem:v14+s12+$0x0], $0xffff  }
0x163: {  	[tilespmem:s6+$0x16AA8] =	vst v9  }
0x164: {  	v12 =	vld.idx.msk [tilespmem:v12+s12+$0x0], $0xffff  }
0x165: {  	v18 =	vadd.s32 $0x1, v15  }
0x166: {  	v19 =	vld.idx.msk [tilespmem:v10+s7+$0x0 ss:$0x1], $0xffff;
	v9 =	vmul.u32 $0x5, v16  }
0x167: {  	[tilespmem:s6+$0x167F0] =	vst v8;
	v8 =	vld.idx.msk [tilespmem:v11+s7+$0x10 ss:$0x1], $0xffff  }
0x168: {  	v16 =	vld.idx.msk [tilespmem:v17+s14+$0x0], $0xffff  }
0x169: {  	[tilespmem:s6+$0x16888] =	vst v12;
	v12 =	vadd.s32 $0x1, v14  }
0x16a: {  	v18 =	vld.idx.msk [tilespmem:v18+s14+$0x0], $0xffff  }
0x16b: {  	v21 =	vld.idx.msk [tilespmem:v11+s7+$0x0 ss:$0x1], $0xffff;
	v19 =	vmul.u32 $0x5, v19;
	v20 =	vadd.s32 $0x2, v13  }
0x16c: {  	v8 =	vmul.u32 $0x5, v8;
	v22 =	vld.idx.msk [tilespmem:v9+s12+$0x0], $0xffff  }
0x16d: {  	[tilespmem:s6+$0x16A98] =	vst v16  }
0x16e: {  	v12 =	vld.idx.msk [tilespmem:v12+s12+$0x0], $0xffff  }
0x16f: {  	v16 =	vadd.s32 $0x1, v17;
	[tilespmem:s6+$0x16B30] =	vst v18  }
0x170: {  	v18 =	vld.idx.msk [tilespmem:v20+s12+$0x0], $0xffff  }
0x171: {  	v23 =	vmul.u32 $0x5, v21;
	v21 =	vadd.s32 $0x2, v15;
	[tilespmem:s7+$0x16800] =	vst v22;
	v20 =	vld.idx.msk [tilespmem:v19+s12+$0x0], $0xffff  }
0x172: {  	v22 =	vld.idx.msk [tilespmem:v8+s14+$0x0], $0xffff  }
0x173: {  	[tilespmem:s6+$0x16878] =	vst v12;
	v12 =	vadd.s32 $0x1, v9  }
0x174: {  	s8 =	simm.s32 $0x40;
	v16 =	vld.idx.msk [tilespmem:v16+s14+$0x0], $0xffff  }
0x175: {  	v26 =	vld.idx.msk [tilespmem:v10+s8+$0x10 ss:$0x1], $0xffff;
	[tilespmem:s6+$0x16910] =	vst v18;
	v18 =	vadd.s32 $0x2, v14  }
0x176: {  	[tilespmem:s7+$0x167F0] =	vst v20;
	v20 =	vld.idx.msk [tilespmem:v21+s14+$0x0], $0xffff  }
0x177: {  	v24 =	vadd.s32 $0x3, v13;
	[tilespmem:s7+$0x16AA8] =	vst v22;
	v21 =	vld.idx.msk [tilespmem:v23+s14+$0x0], $0xffff  }
0x178: {  	v25 =	vadd.s32 $0x1, v19;
	v22 =	vld.idx.msk [tilespmem:v12+s12+$0x0], $0xffff  }
0x179: {  	[tilespmem:s6+$0x16B20] =	vst v16;
	v16 =	vld.idx.msk [tilespmem:v10+s8+$0x0 ss:$0x1], $0xffff  }
0x17a: {  	v18 =	vld.idx.msk [tilespmem:v18+s12+$0x0], $0xffff  }
0x17b: {  	v27 =	vadd.s32 $0x2, v17;
	[tilespmem:s6+$0x16BB8] =	vst v20  }
0x17c: {  	v20 =	vadd.s32 $0x1, v8;
	[tilespmem:s7+$0x16A98] =	vst v21;
	v21 =	vld.idx.msk [tilespmem:v24+s12+$0x0], $0xffff  }
0x17d: {  	v12 =	vmul.u32 $0x5, v26;
	v24 =	vld.idx.msk [tilespmem:v25+s12+$0x0], $0xffff;
	v25 =	vadd.s32 $0x3, v15  }
0x17e: {  	v26 =	vld.idx.msk [tilespmem:v11+s8+$0x10 ss:$0x1], $0xffff;
	[tilespmem:s7+$0x16888] =	vst v22  }
0x17f: {  	v29 =	vld.idx.msk [tilespmem:v11+s8+$0x0 ss:$0x1], $0xffff;
	v28 =	vadd.s32 $0x1, v23;
	v22 =	vmul.u32 $0x5, v16;
	[tilespmem:s6+$0x16900] =	vst v18  }
0x180: {  	v18 =	vld.idx.msk [tilespmem:v27+s14+$0x0], $0xffff  }
0x181: {  	v16 =	vld.idx.msk [tilespmem:v20+s14+$0x0], $0xffff;
	[tilespmem:s6+$0x16998] =	vst v21;
	v21 =	vadd.s32 $0x3, v14  }
0x182: {  	v20 =	vadd.s32 $0x2, v9;
	v25 =	vld.idx.msk [tilespmem:v25+s14+$0x0], $0xffff  }
0x183: {  	v30 =	vld.idx.msk [tilespmem:v12+s12+$0x0], $0xffff;
	v27 =	vadd.s32 $0x4, v13;
	v13 =	vmul.u32 $0x5, v26;
	[tilespmem:s7+$0x16878] =	vst v24  }
0x184: {  	v24 =	vld.idx.msk [tilespmem:v28+s14+$0x0], $0xffff  }
0x185: {  	v29 =	vmul.u32 $0x5, v29;
	v28 =	vadd.s32 $0x2, v19;
	v26 =	vld.idx.msk [tilespmem:v22+s12+$0x0], $0xffff;
	[tilespmem:s6+$0x16BA8] =	vst v18  }
0x186: {  	[tilespmem:s7+$0x16B30] =	vst v16;
	v35 =	vld.idx.msk [tilespmem:v21+s12+$0x0], $0xffff  }
0x187: {  	v36 =	vadd.s32 $0x3, v17;
	v18 =	vld.idx.msk [tilespmem:v20+s12+$0x0], $0xffff;
	[tilespmem:s6+$0x16C40] =	vst v25  }
0x188: {  	v32 =	vadd.s32 $0x2, v8;
	[tilespmem:s8+$0x16800] =	vst v30;
	v37 =	vld.idx.msk [tilespmem:v27+s12+$0x0], $0xffff  }
0x189: {  	v38 =	vadd.s32 $0x4, v15;
	v15 =	vadd.s32 $0x4, v23;
	v16 =	vadd.s32 $0x4, v14;
	v33 =	vld.idx.msk [tilespmem:v13+s14+$0x0], $0xffff;
	[tilespmem:s7+$0x16B20] =	vst v24  }
0x18a: {  	v14 =	vadd.s32 $0x4, v17;
	v17 =	vadd.s32 $0x4, v19;
	v21 =	vadd.s32 $0x3, v19;
	v31 =	vld.idx.msk [tilespmem:v28+s12+$0x0], $0xffff;
	[tilespmem:s8+$0x167F0] =	vst v26  }
0x18b: {  	v20 =	vadd.s32 $0x3, v23;
	v19 =	vadd.s32 $0x4, v22;
	v24 =	vadd.s32 $0x2, v23;
	v34 =	vld.idx.msk [tilespmem:v29+s14+$0x0], $0xffff;
	[tilespmem:s6+$0x16988] =	vst v35  }
0x18c: {  	v25 =	vadd.s32 $0x2, v22;
	v23 =	vadd.s32 $0x3, v22;
	[tilespmem:s7+$0x16910] =	vst v18;
	v30 =	vld.idx.msk [tilespmem:v36+s14+$0x0], $0xffff;
	v36 =	vadd.s32 $0x1, v12  }
0x18d: {  	v28 =	vadd.s32 $0x1, v22;
	v27 =	vadd.s32 $0x2, v29;
	v22 =	vadd.s32 $0x3, v29;
	v32 =	vld.idx.msk [tilespmem:v32+s14+$0x0], $0xffff;
	[tilespmem:s6+$0x16A20] =	vst v37  }
0x18e: {  	s9 =	simm.s32 $0x4;
	s10 =	simm.s32 $0x180;
	v26 =	vadd.s32 $0x1, v29;
	v18 =	vadd.s32 $0x4, v29;
	v35 =	vadd.s32 $0x3, v9;
	v29 =	vld.idx.msk [tilespmem:v38+s14+$0x0], $0xffff  }
.LBB2_13:
0x18f: {  	[tilespmem:s7+$0x16900] =	vst v31;
	s11 =	smov.u32 s8;
	s8 =	sshra.s32 s10, $0x2  }
0x190: {  	s9 =	sadd.s32 $0x2, s9;
	v31 =	vld.idx.msk [tilespmem:v10+s8+$0x10 ss:$0x1], $0xffff;
	[tilespmem:s11+$0x16AA8] =	vst v33  }
0x191: {  	p0 =	slt.u32 s9, $0x6;
	[tilespmem:s11+$0x16A98] =	vst v34;
	v33 =	vld.idx.msk [tilespmem:v36+s12+$0x0], $0xffff  }
0x192: {  	v34 =	vld.idx.msk [tilespmem:v10+s8+$0x0 ss:$0x1], $0xffff;
	[tilespmem:s7+$0x16BB8] =	vst v32  }
0x193: {  	v32 =	vadd.s32 $0x1, v13;
	v35 =	vld.idx.msk [tilespmem:v35+s12+$0x0], $0xffff;
	[tilespmem:s6+$0x16C30] =	vst v30  }
0x194: {  	v30 =	vld.idx.msk [tilespmem:v11+s8+$0x0 ss:$0x1], $0xffff;
	[tilespmem:s6+$0x16CC8] =	vst v29  }
0x195: {  	v36 =	vadd.s32 $0x3, v8;
	v29 =	vld.idx.msk [tilespmem:v28+s12+$0x0], $0xffff  }
0x196: {  	v37 =	vld.idx.msk [tilespmem:v24+s14+$0x0], $0xffff;
	v24 =	vmov v27  }
0x197: {  	v31 =	vmul.u32 $0x5, v31;
	v38 =	vld.idx.msk [tilespmem:v11+s8+$0x10 ss:$0x1], $0xffff;
	[tilespmem:s11+$0x16888] =	vst v33  }
0x198: {  	v33 =	vmul.u32 $0x5, v34;
	v32 =	vld.idx.msk [tilespmem:v32+s14+$0x0], $0xffff  }
0x199: {  	[tilespmem:s7+$0x16998] =	vst v35;
	v34 =	vld.idx.msk [tilespmem:v16+s12+$0x0], $0xffff;
	v16 =	vmov v17;
	v17 =	vmov v19  }
0x19a: {  	v30 =	vmul.u32 $0x5, v30;
	v28 =	vadd.s32 $0x1, v33;
	v35 =	vadd.s32 $0x2, v12;
	v36 =	vld.idx.msk [tilespmem:v36+s14+$0x0], $0xffff  }
0x19b: {  	v39 =	vadd.s32 $0x2, v33;
	v40 =	vadd.s32 $0x3, v33;
	v19 =	vadd.s32 $0x4, v33;
	[tilespmem:s11+$0x16878] =	vst v29  }
0x19c: {  	v27 =	vadd.s32 $0x2, v30;
	v29 =	vld.idx.msk [tilespmem:v26+s14+$0x0], $0xffff;
	v26 =	vadd.s32 $0x1, v30;
	[tilespmem:s7+$0x16BA8] =	vst v37;
	v37 =	vadd.s32 $0x4, v9;
	v9 =	vmovc v12;
	v12 =	vmovc v31  }
0x19d: {  	v41 =	vadd.s32 $0x3, v30;
	v42 =	vadd.s32 $0x4, v30;
	v31 =	vld.idx.msk [tilespmem:v31+s12+$0x0], $0xffff  }
0x19e: {  	v38 =	vmul.u32 $0x5, v38;
	v33 =	vld.idx.msk [tilespmem:v33+s12+$0x0], $0xffff;
	[tilespmem:s11+$0x16B30] =	vst v32  }
0x19f: {  	v32 =	vld.idx.msk [tilespmem:v35+s12+$0x0], $0xffff;
	[tilespmem:s6+$0x16A10] =	vst v34  }
0x1a0: {  	v35 =	vld.idx.msk [tilespmem:v21+s12+$0x0], $0xffff;
	[tilespmem:s7+$0x16C40] =	vst v36;
	v21 =	vmov v23;
	v23 =	vmov v40  }
0x1a1: {  	v40 =	vadd.s32 $0x2, v13;
	v37 =	vld.idx.msk [tilespmem:v37+s12+$0x0], $0xffff  }
0x1a2: {  	[tilespmem:s11+$0x16B20] =	vst v29;
	v43 =	vld.idx.msk [tilespmem:v14+s14+$0x0], $0xffff;
	v14 =	vmov v15;
	v15 =	vmov v18;
	v18 =	vmov v42  }
0x1a3: {  	v29 =	vadd.s32 $0x4, v8;
	v8 =	vmovc v13;
	v13 =	vmov v38;
	[tilespmem:s8+$0x16800] =	vst v31;
	v31 =	vld.idx.msk [tilespmem:v25+s12+$0x0], $0xffff;
	v25 =	vmov v39  }
.Ltmp6:
0x1a4: {  	[tilespmem:s8+$0x167F0] =	vst v33;
	v33 =	vld.idx.msk [tilespmem:v38+s14+$0x0], $0xffff;
	(pc) =	sbr.rel @p0 .LBB2_13-.Ltmp6, $4  }
0x1a5: {  	v34 =	vld.idx.msk [tilespmem:v30+s14+$0x0], $0xffff;
	[tilespmem:s11+$0x16910] =	vst v32  }
0x1a6: {  	v36 =	vadd.s32 $0x1, v12;
	v32 =	vld.idx.msk [tilespmem:v40+s14+$0x0], $0xffff;
	[tilespmem:s7+$0x16988] =	vst v35  }
0x1a7: {  	v30 =	vld.idx.msk [tilespmem:v20+s14+$0x0], $0xffff;
	[tilespmem:s7+$0x16A20] =	vst v37;
	v20 =	vmov v22;
	v22 =	vmov v41  }
0x1a8: {  	s10 =	sadd.s32 $0x80, s10;
	v35 =	vadd.s32 $0x3, v9;
	v29 =	vld.idx.msk [tilespmem:v29+s14+$0x0], $0xffff;
	[tilespmem:s6+$0x16CB8] =	vst v43;
	s6 =	smov.u32 s7;
	s7 =	smov.u32 s11  }
0x1a9: {  	_ =	sdelay $0x2  }
0x1aa: {  	[tilespmem:s8+$0x16AA8] =	vst v33  }
0x1ab: {  	[tilespmem:s8+$0x16A98] =	vst v34;
	v10 =	vld.idx.msk [tilespmem:v36+s12+$0x0], $0xffff  }
0x1ac: {  	v11 =	vadd.s32 $0x1, v13;
	v28 =	vld.idx.msk [tilespmem:v28+s12+$0x0], $0xffff;
	_ =	sdelay $0x3  }
0x1ad: {  	[tilespmem:s8+$0x16888] =	vst v10  }
0x1ae: {  	v10 =	vld.idx.msk [tilespmem:v11+s14+$0x0], $0xffff;
	[tilespmem:s8+$0x16878] =	vst v28  }
0x1af: {  	v11 =	vadd.s32 $0x2, v12;
	v26 =	vld.idx.msk [tilespmem:v26+s14+$0x0], $0xffff;
	_ =	sdelay $0x3  }
0x1b0: {  	[tilespmem:s8+$0x16B30] =	vst v10  }
0x1b1: {  	v10 =	vld.idx.msk [tilespmem:v11+s12+$0x0], $0xffff;
	[tilespmem:s8+$0x16B20] =	vst v26  }
0x1b2: {  	v11 =	vadd.s32 $0x2, v13;
	v25 =	vld.idx.msk [tilespmem:v25+s12+$0x0], $0xffff;
	_ =	sdelay $0x1  }
0x1b3: {  	[tilespmem:s7+$0x16900] =	vst v31  }
0x1b4: {  	v24 =	vld.idx.msk [tilespmem:v24+s14+$0x0], $0xffff  }
0x1b5: {  	[tilespmem:s8+$0x16910] =	vst v10  }
0x1b6: {  	v10 =	vld.idx.msk [tilespmem:v11+s14+$0x0], $0xffff;
	[tilespmem:s8+$0x16900] =	vst v25  }
0x1b7: {  	v11 =	vadd.s32 $0x3, v12;
	v25 =	vld.idx.msk [tilespmem:v27+s14+$0x0], $0xffff  }
0x1b8: {  	[tilespmem:s7+$0x16BB8] =	vst v32  }
0x1b9: {  	v48 =	vld.idx.msk [tilespmem:v35+s12+$0x0], $0xffff;
	[tilespmem:s7+$0x16BA8] =	vst v24  }
0x1ba: {  	v49 =	vadd.s32 $0x3, v8;
	v21 =	vld.idx.msk [tilespmem:v21+s12+$0x0], $0xffff  }
0x1bb: {  	[tilespmem:s8+$0x16BB8] =	vst v10  }
0x1bc: {  	v10 =	vld.idx.msk [tilespmem:v11+s12+$0x0], $0xffff;
	[tilespmem:s8+$0x16BA8] =	vst v25  }
0x1bd: {  	v11 =	vadd.s32 $0x3, v13;
	v23 =	vld.idx.msk [tilespmem:v23+s12+$0x0], $0xffff  }
0x1be: {  	[tilespmem:s7+$0x16998] =	vst v48  }
0x1bf: {  	v24 =	vld.idx.msk [tilespmem:v49+s14+$0x0], $0xffff;
	[tilespmem:s7+$0x16988] =	vst v21  }
0x1c0: {  	v9 =	vadd.s32 $0x4, v9;
	v20 =	vld.idx.msk [tilespmem:v20+s14+$0x0], $0xffff  }
0x1c1: {  	[tilespmem:s8+$0x16998] =	vst v10  }
0x1c2: {  	v10 =	vld.idx.msk [tilespmem:v11+s14+$0x0], $0xffff;
	[tilespmem:s8+$0x16988] =	vst v23  }
0x1c3: {  	v11 =	vadd.s32 $0x4, v12;
	v12 =	vld.idx.msk [tilespmem:v22+s14+$0x0], $0xffff  }
0x1c4: {  	[tilespmem:s7+$0x16C40] =	vst v24  }
0x1c5: {  	v9 =	vld.idx.msk [tilespmem:v9+s12+$0x0], $0xffff;
	[tilespmem:s7+$0x16C30] =	vst v20  }
0x1c6: {  	v8 =	vadd.s32 $0x4, v8;
	[tilespmem:s6+$0x16C30] =	vst v30;
	v17 =	vld.idx.msk [tilespmem:v17+s12+$0x0], $0xffff  }
0x1c7: {  	v16 =	vld.idx.msk [tilespmem:v16+s12+$0x0], $0xffff;
	[tilespmem:s8+$0x16C40] =	vst v10  }
0x1c8: {  	v10 =	vld.idx.msk [tilespmem:v11+s12+$0x0], $0xffff;
	[tilespmem:s8+$0x16C30] =	vst v12  }
0x1c9: {  	v11 =	vadd.s32 $0x4, v13;
	v12 =	vld.idx.msk [tilespmem:v19+s12+$0x0], $0xffff  }
0x1ca: {  	[tilespmem:s7+$0x16A20] =	vst v9  }
0x1cb: {  	v8 =	vld.idx.msk [tilespmem:v8+s14+$0x0], $0xffff;
	[tilespmem:s7+$0x16A10] =	vst v17  }
0x1cc: {  	[tilespmem:s6+$0x16A10] =	vst v16;
	v9 =	vld.idx.msk [tilespmem:v15+s14+$0x0], $0xffff  }
0x1cd: {  	v13 =	vld.idx.msk [tilespmem:v14+s14+$0x0], $0xffff;
	[tilespmem:s8+$0x16A20] =	vst v10  }
0x1ce: {  	v10 =	vld.idx.msk [tilespmem:v11+s14+$0x0], $0xffff;
	[tilespmem:s8+$0x16A10] =	vst v12  }
0x1cf: {  	[tilespmem:s6+$0x16CC8] =	vst v29;
	v11 =	vld.idx.msk [tilespmem:v18+s14+$0x0], $0xffff  }
0x1d0: {  	[tilespmem:s7+$0x16CC8] =	vst v8  }
0x1d1: {  	[tilespmem:s7+$0x16CB8] =	vst v9  }
0x1d2: {  	[tilespmem:s6+$0x16CB8] =	vst v13  }
0x1d3: {  	[tilespmem:s8+$0x16CC8] =	vst v10  }
0x1d4: {  	[tilespmem:s8+$0x16CB8] =	vst v11  }
0x1d5: {  	s23 =	simm.s32 $0x3;
	_ =	swait.ge [sflag:s21], $0x4000  }
0x1d6: {  	s31 =	simm.s32 $0x0;
	v8 =	vmov s23;
	[sflag:s21] =	ssyncset.done $0x0  }
0x1d7: {  	v15 =	vand.u32 $0x7F, v8;
	s7 =	simm.s32 $0x9BA0;
	v9 =	vmov s31;
	[sflag:s21] =	ssyncadd.s32 $0xFFFFC000  }
0x1d8: {  	v12 =	vand.u32 $0x7C, v9;
	v9 =	vadd.s32 v0, v15;
	v8 =	vld [tilespmem:s7+$0x80]  }
0x1d9: {  	s8 =	simm.s32 $0x1;
	v11 =	vadd.s32 v0, v12;
	v10 =	vld [tilespmem:s7+$0xFFFFFF00]  }
0x1da: {  	s9 =	simm.s32 $0x2;
	v13 =	vmov s8  }
0x1db: {  	v14 =	vand.u32 $0x7D, v13;
	v13 =	vmov s9  }
0x1dc: {  	v17 =	vadd.s32 v0, v14;
	v13 =	vand.u32 $0x7E, v13;
	v16 =	vld [tilespmem:s7+$0xFFFFFF80]  }
0x1dd: {  	v18 =	vld [tilespmem:s7+$0x0];
	v19 =	vadd.s32 v0, v13;
	[tilespmem:v9+s22+$0x0] =	vst.idx.msk $0xffff, v8  }
0x1de: {  	[tilespmem:v11+s22+$0x0] =	vst.idx.msk $0xffff, v10;
	v9 =	vadd.s32 v1, v15;
	v8 =	vld [tilespmem:s7+$0x90]  }
0x1df: {  	v11 =	vadd.s32 v1, v12;
	v10 =	vld [tilespmem:s7+$0xFFFFFF10];
	_ =	sdelay $0x1  }
0x1e0: {  	[tilespmem:v17+s22+$0x0] =	vst.idx.msk $0xffff, v16  }
0x1e1: {  	v17 =	vadd.s32 v1, v14;
	[tilespmem:v19+s22+$0x0] =	vst.idx.msk $0xffff, v18;
	v16 =	vld [tilespmem:s7+$0xFFFFFF90]  }
0x1e2: {  	v19 =	vadd.s32 v1, v13;
	v18 =	vld [tilespmem:s7+$0x10];
	[tilespmem:v9+s22+$0x0] =	vst.idx.msk $0xffff, v8  }
0x1e3: {  	[tilespmem:v11+s22+$0x0] =	vst.idx.msk $0xffff, v10;
	v9 =	vadd.s32 v2, v15;
	v8 =	vld [tilespmem:s7+$0xA0]  }
0x1e4: {  	v11 =	vadd.s32 v2, v12;
	v10 =	vld [tilespmem:s7+$0xFFFFFF20];
	_ =	sdelay $0x1  }
0x1e5: {  	[tilespmem:v17+s22+$0x0] =	vst.idx.msk $0xffff, v16  }
0x1e6: {  	v17 =	vadd.s32 v2, v14;
	[tilespmem:v19+s22+$0x0] =	vst.idx.msk $0xffff, v18;
	v16 =	vld [tilespmem:s7+$0xFFFFFFA0]  }
0x1e7: {  	v19 =	vadd.s32 v2, v13;
	v18 =	vld [tilespmem:s7+$0x20];
	[tilespmem:v9+s22+$0x0] =	vst.idx.msk $0xffff, v8  }
0x1e8: {  	[tilespmem:v11+s22+$0x0] =	vst.idx.msk $0xffff, v10;
	v9 =	vadd.s32 v3, v15;
	v8 =	vld [tilespmem:s7+$0xB0]  }
0x1e9: {  	v11 =	vadd.s32 v3, v12;
	v10 =	vld [tilespmem:s7+$0xFFFFFF30];
	_ =	sdelay $0x1  }
0x1ea: {  	[tilespmem:v17+s22+$0x0] =	vst.idx.msk $0xffff, v16  }
0x1eb: {  	v17 =	vadd.s32 v3, v14;
	[tilespmem:v19+s22+$0x0] =	vst.idx.msk $0xffff, v18;
	v16 =	vld [tilespmem:s7+$0xFFFFFFB0]  }
0x1ec: {  	v19 =	vadd.s32 v3, v13;
	v18 =	vld [tilespmem:s7+$0x30];
	[tilespmem:v9+s22+$0x0] =	vst.idx.msk $0xffff, v8  }
0x1ed: {  	[tilespmem:v11+s22+$0x0] =	vst.idx.msk $0xffff, v10;
	v9 =	vadd.s32 v4, v15;
	v8 =	vld [tilespmem:s7+$0xC0]  }
0x1ee: {  	v11 =	vadd.s32 v4, v12;
	v10 =	vld [tilespmem:s7+$0xFFFFFF40];
	_ =	sdelay $0x1  }
0x1ef: {  	[tilespmem:v17+s22+$0x0] =	vst.idx.msk $0xffff, v16  }
0x1f0: {  	v17 =	vadd.s32 v4, v14;
	[tilespmem:v19+s22+$0x0] =	vst.idx.msk $0xffff, v18;
	v16 =	vld [tilespmem:s7+$0xFFFFFFC0]  }
0x1f1: {  	s10 =	simm.s32 $0x7;
	v19 =	vadd.s32 v4, v13;
	v18 =	vld [tilespmem:s7+$0x40];
	[tilespmem:v9+s22+$0x0] =	vst.idx.msk $0xffff, v8  }
0x1f2: {  	s11 =	simm.s32 $0x4;
	v21 =	vadd.s32 v5, v15;
	v8 =	vmov s10;
	[tilespmem:v11+s22+$0x0] =	vst.idx.msk $0xffff, v10;
	v20 =	vld [tilespmem:s7+$0xD0]  }
0x1f3: {  	s23 =	simm.s32 $0x5;
	s6 =	simm.s32 $0x9DA0;
	v23 =	vadd.s32 v5, v12;
	v9 =	vmov s11;
	v11 =	vand.u32 $0x7F, v8;
	v22 =	vld [tilespmem:s7+$0xFFFFFF50]  }
0x1f4: {  	s31 =	simm.s32 $0x6;
	v50 =	vld [tilespmem:s6+$0x80];
	v8 =	vand.u32 $0x7C, v9;
	v9 =	vmov s23;
	v51 =	vadd.s32 v0, v11  }
0x1f5: {  	[tilespmem:v17+s22+$0x0] =	vst.idx.msk $0xffff, v16;
	v16 =	vld [tilespmem:s6+$0xFFFFFF00];
	v17 =	vadd.s32 v0, v8;
	v10 =	vand.u32 $0x7D, v9;
	v9 =	vmov s31  }
0x1f6: {  	[tilespmem:v19+s22+$0x0] =	vst.idx.msk $0xffff, v18;
	v18 =	vld [tilespmem:s6+$0xFFFFFF80];
	v19 =	vadd.s32 v0, v10;
	v9 =	vand.u32 $0x7E, v9  }
0x1f7: {  	v52 =	vld [tilespmem:s6+$0x0];
	v53 =	vadd.s32 v0, v9;
	[tilespmem:v21+s22+$0x0] =	vst.idx.msk $0xffff, v20  }
0x1f8: {  	[tilespmem:v23+s22+$0x0] =	vst.idx.msk $0xffff, v22;
	v21 =	vadd.s32 v6, v15;
	v20 =	vld [tilespmem:s7+$0xE0]  }
0x1f9: {  	v22 =	vld [tilespmem:s7+$0xFFFFFFD0];
	v23 =	vadd.s32 v5, v14;
	[tilespmem:v51+s22+$0x0] =	vst.idx.msk $0xffff, v50  }
0x1fa: {  	[tilespmem:v17+s22+$0x0] =	vst.idx.msk $0xffff, v16;
	v17 =	vadd.s32 v1, v11;
	v16 =	vld [tilespmem:s6+$0x90]  }
0x1fb: {  	v55 =	vadd.s32 v1, v8;
	v54 =	vld [tilespmem:s6+$0xFFFFFF10];
	[tilespmem:v19+s22+$0x0] =	vst.idx.msk $0xffff, v18  }
0x1fc: {  	v19 =	vadd.s32 v1, v10;
	v18 =	vld [tilespmem:s6+$0xFFFFFF90];
	[tilespmem:v53+s22+$0x0] =	vst.idx.msk $0xffff, v52  }
0x1fd: {  	v56 =	vadd.s32 v1, v9;
	v26 =	vld [tilespmem:s6+$0x10];
	[tilespmem:v21+s22+$0x0] =	vst.idx.msk $0xffff, v20  }
0x1fe: {  	v15 =	vadd.s32 v7, v15;
	[tilespmem:v23+s22+$0x0] =	vst.idx.msk $0xffff, v22;
	v20 =	vld [tilespmem:s7+$0xF0]  }
0x1ff: {  	[tilespmem:v17+s22+$0x0] =	vst.idx.msk $0xffff, v16;
	v16 =	vld [tilespmem:s7+$0x50];
	v17 =	vadd.s32 v5, v13  }
0x200: {  	v22 =	vadd.s32 v2, v11;
	[tilespmem:v55+s22+$0x0] =	vst.idx.msk $0xffff, v54;
	v21 =	vld [tilespmem:s6+$0xA0]  }
0x201: {  	v57 =	vadd.s32 v2, v8;
	v23 =	vld [tilespmem:s6+$0xFFFFFF20];
	[tilespmem:v19+s22+$0x0] =	vst.idx.msk $0xffff, v18  }
0x202: {  	v19 =	vadd.s32 v2, v10;
	v18 =	vld [tilespmem:s6+$0xFFFFFFA0];
	[tilespmem:v56+s22+$0x0] =	vst.idx.msk $0xffff, v26  }
0x203: {  	v59 =	vadd.s32 v2, v9;
	v58 =	vld [tilespmem:s6+$0x20];
	[tilespmem:v15+s22+$0x0] =	vst.idx.msk $0xffff, v20  }
0x204: {  	v15 =	vld [tilespmem:s7+$0xFFFFFFE0];
	v20 =	vadd.s32 v6, v14;
	[tilespmem:v17+s22+$0x0] =	vst.idx.msk $0xffff, v16  }
0x205: {  	v17 =	vadd.s32 v6, v13;
	[tilespmem:v22+s22+$0x0] =	vst.idx.msk $0xffff, v21;
	v16 =	vld [tilespmem:s7+$0x60]  }
0x206: {  	[tilespmem:v57+s22+$0x0] =	vst.idx.msk $0xffff, v23;
	v22 =	vadd.s32 v3, v11;
	v21 =	vld [tilespmem:s6+$0xB0]  }
0x207: {  	v60 =	vadd.s32 v3, v8;
	v23 =	vld [tilespmem:s6+$0xFFFFFF30];
	[tilespmem:v19+s22+$0x0] =	vst.idx.msk $0xffff, v18  }
0x208: {  	v19 =	vadd.s32 v3, v10;
	v18 =	vld [tilespmem:s6+$0xFFFFFFB0];
	[tilespmem:v59+s22+$0x0] =	vst.idx.msk $0xffff, v58  }
0x209: {  	v61 =	vadd.s32 v3, v9;
	v25 =	vld [tilespmem:s6+$0x30];
	[tilespmem:v20+s22+$0x0] =	vst.idx.msk $0xffff, v15  }
0x20a: {  	v62 =	vadd.s32 v6, v12;
	v15 =	vld [tilespmem:s7+$0xFFFFFF60];
	[tilespmem:v17+s22+$0x0] =	vst.idx.msk $0xffff, v16  }
0x20b: {  	v14 =	vadd.s32 v7, v14;
	v16 =	vld [tilespmem:s7+$0xFFFFFFF0];
	[tilespmem:v22+s22+$0x0] =	vst.idx.msk $0xffff, v21  }
0x20c: {  	v63 =	vadd.s32 v4, v11;
	[tilespmem:v60+s22+$0x0] =	vst.idx.msk $0xffff, v23;
	v23 =	vld [tilespmem:s6+$0xC0]  }
0x20d: {  	v22 =	vadd.s32 v4, v8;
	v20 =	vld [tilespmem:s6+$0xFFFFFF40];
	[tilespmem:v19+s22+$0x0] =	vst.idx.msk $0xffff, v18  }
0x20e: {  	v21 =	vadd.s32 v4, v10;
	v18 =	vld [tilespmem:s6+$0xFFFFFFC0];
	[tilespmem:v61+s22+$0x0] =	vst.idx.msk $0xffff, v25  }
0x20f: {  	v19 =	vadd.s32 v4, v9;
	v17 =	vld [tilespmem:s6+$0x40];
	[tilespmem:v62+s22+$0x0] =	vst.idx.msk $0xffff, v15  }
0x210: {  	s8 =	simm.s32 $0x8;
	v13 =	vadd.s32 v7, v13;
	[tilespmem:v14+s22+$0x0] =	vst.idx.msk $0xffff, v16;
	v14 =	vld [tilespmem:s7+$0x70]  }
0x211: {  	s9 =	simm.s32 $0xC;
	s10 =	simm.s32 $0xB;
	v15 =	vld [tilespmem:s7+$0xFFFFFF70];
	v16 =	vadd.s32 v7, v12;
	s7 =	simm.s32 $0x9DA0;
	[tilespmem:v63+s22+$0x0] =	vst.idx.msk $0xffff, v23  }
.LBB2_15:
0x212: {  	p0 =	slt.u32 s9, $0x7C;
	v12 =	vmov s10;
	[tilespmem:v22+s22+$0x0] =	vst.idx.msk $0xffff, v20;
	v20 =	vld [tilespmem:s6+$0xD0];
	v22 =	vadd.s32 v5, v11  }
0x213: {  	v23 =	vmov s8;
	s10 =	sadd.s32 $0x1, s8;
	v26 =	vadd.s32 v5, v8;
	s6 =	sadd.s32 $0x200, s6;
	v24 =	vand.u32 $0x7F, v12;
	v25 =	vld [tilespmem:s7+$0xFFFFFF50];
	[tilespmem:v21+s22+$0x0] =	vst.idx.msk $0xffff, v18  }
0x214: {  	v12 =	vand.u32 $0x7C, v23;
	v18 =	vmov s10;
	s10 =	sadd.s32 $0x2, s8;
	s8 =	smov.u32 s9;
	v21 =	vld [tilespmem:s6+$0x80];
	v23 =	vadd.s32 v0, v24;
	[tilespmem:v19+s22+$0x0] =	vst.idx.msk $0xffff, v17  }
0x215: {  	v19 =	vadd.s32 v0, v12;
	v18 =	vand.u32 $0x7D, v18;
	v27 =	vmov s10;
	v17 =	vld [tilespmem:s6+$0xFFFFFF00];
	[tilespmem:v13+s22+$0x0] =	vst.idx.msk $0xffff, v14  }
0x216: {  	v14 =	vadd.s32 v0, v18;
	v27 =	vand.u32 $0x7E, v27;
	v13 =	vld [tilespmem:s6+$0xFFFFFF80];
	[tilespmem:v16+s22+$0x0] =	vst.idx.msk $0xffff, v15  }
0x217: {  	v16 =	vadd.s32 v0, v27;
	v15 =	vld [tilespmem:s6+$0x0];
	[tilespmem:v22+s22+$0x0] =	vst.idx.msk $0xffff, v20  }
0x218: {  	v22 =	vadd.s32 v6, v11;
	[tilespmem:v26+s22+$0x0] =	vst.idx.msk $0xffff, v25;
	v20 =	vld [tilespmem:s7+$0xE0]  }
0x219: {  	[tilespmem:v23+s22+$0x0] =	vst.idx.msk $0xffff, v21;
	v21 =	vld [tilespmem:s7+$0xFFFFFFD0];
	v23 =	vadd.s32 v5, v10  }
0x21a: {  	[tilespmem:v19+s22+$0x0] =	vst.idx.msk $0xffff, v17;
	v17 =	vld [tilespmem:s6+$0x90];
	v19 =	vadd.s32 v1, v24  }
0x21b: {  	v26 =	vadd.s32 v1, v12;
	v25 =	vld [tilespmem:s6+$0xFFFFFF10];
	[tilespmem:v14+s22+$0x0] =	vst.idx.msk $0xffff, v13  }
0x21c: {  	v14 =	vadd.s32 v1, v18;
	v13 =	vld [tilespmem:s6+$0xFFFFFF90];
	[tilespmem:v16+s22+$0x0] =	vst.idx.msk $0xffff, v15  }
0x21d: {  	v16 =	vadd.s32 v1, v27;
	v15 =	vld [tilespmem:s6+$0x10];
	[tilespmem:v22+s22+$0x0] =	vst.idx.msk $0xffff, v20  }
0x21e: {  	[tilespmem:v23+s22+$0x0] =	vst.idx.msk $0xffff, v21;
	v20 =	vld [tilespmem:s7+$0xF0];
	v21 =	vadd.s32 v7, v11;
	v11 =	vmov v24  }
0x21f: {  	[tilespmem:v19+s22+$0x0] =	vst.idx.msk $0xffff, v17;
	v17 =	vld [tilespmem:s7+$0x50];
	v19 =	vadd.s32 v5, v9  }
0x220: {  	v23 =	vadd.s32 v2, v11;
	[tilespmem:v26+s22+$0x0] =	vst.idx.msk $0xffff, v25;
	v22 =	vld [tilespmem:s6+$0xA0]  }
0x221: {  	v25 =	vadd.s32 v2, v12;
	v24 =	vld [tilespmem:s6+$0xFFFFFF20];
	[tilespmem:v14+s22+$0x0] =	vst.idx.msk $0xffff, v13  }
0x222: {  	v14 =	vadd.s32 v2, v18;
	v13 =	vld [tilespmem:s6+$0xFFFFFFA0];
	[tilespmem:v16+s22+$0x0] =	vst.idx.msk $0xffff, v15  }
0x223: {  	v16 =	vadd.s32 v2, v27;
	v15 =	vld [tilespmem:s6+$0x20];
	[tilespmem:v21+s22+$0x0] =	vst.idx.msk $0xffff, v20  }
0x224: {  	v21 =	vadd.s32 v6, v10;
	v20 =	vld [tilespmem:s7+$0xFFFFFFE0];
	[tilespmem:v19+s22+$0x0] =	vst.idx.msk $0xffff, v17  }
0x225: {  	v19 =	vadd.s32 v6, v9;
	[tilespmem:v23+s22+$0x0] =	vst.idx.msk $0xffff, v22;
	v17 =	vld [tilespmem:s7+$0x60]  }
0x226: {  	v23 =	vadd.s32 v3, v11;
	[tilespmem:v25+s22+$0x0] =	vst.idx.msk $0xffff, v24;
	v22 =	vld [tilespmem:s6+$0xB0]  }
0x227: {  	v25 =	vadd.s32 v3, v12;
	v24 =	vld [tilespmem:s6+$0xFFFFFF30];
	[tilespmem:v14+s22+$0x0] =	vst.idx.msk $0xffff, v13  }
0x228: {  	v14 =	vadd.s32 v3, v18;
	v13 =	vld [tilespmem:s6+$0xFFFFFFB0];
	[tilespmem:v16+s22+$0x0] =	vst.idx.msk $0xffff, v15  }
0x229: {  	v16 =	vadd.s32 v3, v27;
	v15 =	vld [tilespmem:s6+$0x30];
	[tilespmem:v21+s22+$0x0] =	vst.idx.msk $0xffff, v20  }
0x22a: {  	v28 =	vadd.s32 v6, v8;
	v26 =	vld [tilespmem:s7+$0xFFFFFF60];
	[tilespmem:v19+s22+$0x0] =	vst.idx.msk $0xffff, v17  }
0x22b: {  	v29 =	vadd.s32 v7, v10;
	v10 =	vmov v18;
	[tilespmem:v23+s22+$0x0] =	vst.idx.msk $0xffff, v22;
	v23 =	vld [tilespmem:s7+$0xFFFFFFF0]  }
0x22c: {  	[tilespmem:v25+s22+$0x0] =	vst.idx.msk $0xffff, v24;
	v24 =	vld [tilespmem:s6+$0xC0];
	v25 =	vadd.s32 v4, v11  }
.Ltmp7:
0x22d: {  	v22 =	vadd.s32 v4, v12;
	v20 =	vld [tilespmem:s6+$0xFFFFFF40];
	[tilespmem:v14+s22+$0x0] =	vst.idx.msk $0xffff, v13;
	(pc) =	sbr.rel @p0 .LBB2_15-.Ltmp7, $4  }
0x22e: {  	v21 =	vadd.s32 v4, v10;
	v18 =	vld [tilespmem:s6+$0xFFFFFFC0];
	[tilespmem:v16+s22+$0x0] =	vst.idx.msk $0xffff, v15  }
0x22f: {  	v19 =	vadd.s32 v4, v27;
	v17 =	vld [tilespmem:s6+$0x40];
	[tilespmem:v28+s22+$0x0] =	vst.idx.msk $0xffff, v26  }
0x230: {  	v13 =	vadd.s32 v7, v9;
	v9 =	vmov v27;
	[tilespmem:v29+s22+$0x0] =	vst.idx.msk $0xffff, v23;
	v14 =	vld [tilespmem:s7+$0x70]  }
0x231: {  	s9 =	sadd.s32 $0x4, s9;
	s10 =	sadd.s32 $0x3, s8;
	v16 =	vadd.s32 v7, v8;
	v8 =	vmov v12;
	[tilespmem:v25+s22+$0x0] =	vst.idx.msk $0xffff, v24;
	v15 =	vld [tilespmem:s7+$0xFFFFFF70];
	s7 =	smov.u32 s6  }
0x232: {  	_ =	sdelay $0x1  }
0x233: {  	v12 =	vmov s10  }
0x234: {  	s23 =	sadd.s32 $0x1, s8;
	s9 =	sadd.s32 $0x200, s6;
	v27 =	vmov s8;
	v12 =	vand.u32 $0x7F, v12  }
0x235: {  	s31 =	sadd.s32 $0x2, s8;
	[tilespmem:v22+s22+$0x0] =	vst.idx.msk $0xffff, v20;
	v23 =	vmov s23;
	v25 =	vld [tilespmem:s9+$0x80];
	v20 =	vand.u32 $0x7C, v27;
	v26 =	vadd.s32 v0, v12  }
0x236: {  	v24 =	vmov s31;
	v35 =	vld [tilespmem:s9+$0xFFFFFF00];
	v23 =	vand.u32 $0x7D, v23;
	v36 =	vadd.s32 v0, v20  }
0x237: {  	v28 =	vld [tilespmem:s9+$0xFFFFFF80];
	v24 =	vand.u32 $0x7E, v24;
	v29 =	vadd.s32 v0, v23  }
0x238: {  	v33 =	vld [tilespmem:s9+$0x0];
	[tilespmem:v21+s22+$0x0] =	vst.idx.msk $0xffff, v18;
	v34 =	vadd.s32 v0, v24  }
0x239: {  	[tilespmem:v19+s22+$0x0] =	vst.idx.msk $0xffff, v17  }
0x23a: {  	[tilespmem:v26+s22+$0x0] =	vst.idx.msk $0xffff, v25  }
0x23b: {  	v38 =	vadd.s32 v1, v12;
	[tilespmem:v36+s22+$0x0] =	vst.idx.msk $0xffff, v35;
	v37 =	vld [tilespmem:s9+$0x90]  }
0x23c: {  	v44 =	vadd.s32 v1, v20;
	[tilespmem:v29+s22+$0x0] =	vst.idx.msk $0xffff, v28;
	v43 =	vld [tilespmem:s9+$0xFFFFFF10]  }
0x23d: {  	v40 =	vadd.s32 v1, v23;
	[tilespmem:v34+s22+$0x0] =	vst.idx.msk $0xffff, v33;
	v39 =	vld [tilespmem:s9+$0xFFFFFF90]  }
0x23e: {  	v42 =	vadd.s32 v1, v24;
	[tilespmem:v13+s22+$0x0] =	vst.idx.msk $0xffff, v14;
	v41 =	vld [tilespmem:s9+$0x10]  }
0x23f: {  	v45 =	vld [tilespmem:s6+$0xD0];
	v46 =	vadd.s32 v5, v11;
	[tilespmem:v16+s22+$0x0] =	vst.idx.msk $0xffff, v15  }
0x240: {  	v48 =	vadd.s32 v5, v8;
	v47 =	vld [tilespmem:s7+$0xFFFFFF50];
	[tilespmem:v38+s22+$0x0] =	vst.idx.msk $0xffff, v37  }
0x241: {  	v49 =	vadd.s32 v2, v12;
	[tilespmem:v44+s22+$0x0] =	vst.idx.msk $0xffff, v43;
	v17 =	vld [tilespmem:s9+$0xA0]  }
0x242: {  	v54 =	vadd.s32 v2, v20;
	[tilespmem:v40+s22+$0x0] =	vst.idx.msk $0xffff, v39;
	v53 =	vld [tilespmem:s9+$0xFFFFFF20]  }
0x243: {  	v50 =	vadd.s32 v2, v23;
	[tilespmem:v42+s22+$0x0] =	vst.idx.msk $0xffff, v41;
	v25 =	vld [tilespmem:s9+$0xFFFFFFA0]  }
0x244: {  	v52 =	vadd.s32 v2, v24;
	[tilespmem:v46+s22+$0x0] =	vst.idx.msk $0xffff, v45;
	v51 =	vld [tilespmem:s9+$0x20]  }
0x245: {  	v58 =	vadd.s32 v5, v10;
	v57 =	vld [tilespmem:s7+$0xFFFFFFD0];
	[tilespmem:v48+s22+$0x0] =	vst.idx.msk $0xffff, v47  }
0x246: {  	v31 =	vadd.s32 v5, v9;
	v30 =	vld [tilespmem:s7+$0x50];
	[tilespmem:v49+s22+$0x0] =	vst.idx.msk $0xffff, v17  }
0x247: {  	v59 =	vadd.s32 v3, v12;
	[tilespmem:v54+s22+$0x0] =	vst.idx.msk $0xffff, v53;
	v17 =	vld [tilespmem:s9+$0xB0]  }
0x248: {  	v63 =	vadd.s32 v3, v20;
	[tilespmem:v50+s22+$0x0] =	vst.idx.msk $0xffff, v25;
	v62 =	vld [tilespmem:s9+$0xFFFFFF30]  }
0x249: {  	v60 =	vadd.s32 v3, v23;
	[tilespmem:v52+s22+$0x0] =	vst.idx.msk $0xffff, v51;
	v25 =	vld [tilespmem:s9+$0xFFFFFFB0]  }
0x24a: {  	v61 =	vadd.s32 v3, v24;
	[tilespmem:v58+s22+$0x0] =	vst.idx.msk $0xffff, v57;
	v13 =	vld [tilespmem:s9+$0x30]  }
0x24b: {  	v56 =	vadd.s32 v6, v11;
	v55 =	vld [tilespmem:s7+$0xE0];
	[tilespmem:v31+s22+$0x0] =	vst.idx.msk $0xffff, v30  }
0x24c: {  	v48 =	vadd.s32 v6, v8;
	v47 =	vld [tilespmem:s7+$0xFFFFFF60];
	[tilespmem:v59+s22+$0x0] =	vst.idx.msk $0xffff, v17  }
0x24d: {  	v32 =	vadd.s32 v4, v12;
	[tilespmem:v63+s22+$0x0] =	vst.idx.msk $0xffff, v62;
	v17 =	vld [tilespmem:s9+$0xC0]  }
0x24e: {  	v36 =	vadd.s32 v4, v20;
	[tilespmem:v60+s22+$0x0] =	vst.idx.msk $0xffff, v25;
	v35 =	vld [tilespmem:s9+$0xFFFFFF40]  }
0x24f: {  	v33 =	vadd.s32 v4, v23;
	[tilespmem:v61+s22+$0x0] =	vst.idx.msk $0xffff, v13;
	v25 =	vld [tilespmem:s9+$0xFFFFFFC0]  }
0x250: {  	v34 =	vadd.s32 v4, v24;
	[tilespmem:v56+s22+$0x0] =	vst.idx.msk $0xffff, v55;
	v13 =	vld [tilespmem:s9+$0x40]  }
0x251: {  	v29 =	vadd.s32 v7, v11;
	v28 =	vld [tilespmem:s7+$0xF0];
	[tilespmem:v48+s22+$0x0] =	vst.idx.msk $0xffff, v47  }
0x252: {  	v37 =	vld [tilespmem:s7+$0xFFFFFFE0];
	v38 =	vadd.s32 v6, v10;
	[tilespmem:v32+s22+$0x0] =	vst.idx.msk $0xffff, v17  }
0x253: {  	v40 =	vadd.s32 v5, v12;
	[tilespmem:v36+s22+$0x0] =	vst.idx.msk $0xffff, v35;
	v17 =	vld [tilespmem:s9+$0xD0]  }
0x254: {  	v46 =	vadd.s32 v5, v20;
	[tilespmem:v33+s22+$0x0] =	vst.idx.msk $0xffff, v25;
	v45 =	vld [tilespmem:s9+$0xFFFFFF50]  }
0x255: {  	v42 =	vadd.s32 v5, v23;
	[tilespmem:v34+s22+$0x0] =	vst.idx.msk $0xffff, v13;
	v41 =	vld [tilespmem:s9+$0xFFFFFFD0]  }
0x256: {  	v44 =	vadd.s32 v5, v24;
	[tilespmem:v29+s22+$0x0] =	vst.idx.msk $0xffff, v28;
	v43 =	vld [tilespmem:s9+$0x50]  }
0x257: {  	v8 =	vadd.s32 v7, v8;
	v57 =	vld [tilespmem:s7+$0xFFFFFF70];
	[tilespmem:v38+s22+$0x0] =	vst.idx.msk $0xffff, v37  }
0x258: {  	v21 =	vld [tilespmem:s7+$0x60];
	v39 =	vadd.s32 v6, v9;
	[tilespmem:v40+s22+$0x0] =	vst.idx.msk $0xffff, v17  }
0x259: {  	v51 =	vadd.s32 v6, v12;
	[tilespmem:v46+s22+$0x0] =	vst.idx.msk $0xffff, v45;
	v17 =	vld [tilespmem:s9+$0xE0]  }
0x25a: {  	v54 =	vadd.s32 v6, v20;
	[tilespmem:v42+s22+$0x0] =	vst.idx.msk $0xffff, v41;
	v16 =	vld [tilespmem:s9+$0xFFFFFF60]  }
0x25b: {  	v52 =	vadd.s32 v6, v23;
	[tilespmem:v44+s22+$0x0] =	vst.idx.msk $0xffff, v43;
	v13 =	vld [tilespmem:s9+$0xFFFFFFE0]  }
0x25c: {  	[tilespmem:v8+s22+$0x0] =	vst.idx.msk $0xffff, v57;
	v53 =	vadd.s32 v6, v24;
	v11 =	vld [tilespmem:s9+$0x60]  }
0x25d: {  	[tilespmem:v39+s22+$0x0] =	vst.idx.msk $0xffff, v21;
	v49 =	vld [tilespmem:s7+$0xFFFFFFF0];
	v50 =	vadd.s32 v7, v10  }
0x25e: {  	v56 =	vadd.s32 v7, v9;
	v55 =	vld [tilespmem:s7+$0x70];
	[tilespmem:v51+s22+$0x0] =	vst.idx.msk $0xffff, v17  }
0x25f: {  	v12 =	vadd.s32 v7, v12;
	[tilespmem:v54+s22+$0x0] =	vst.idx.msk $0xffff, v16;
	v17 =	vld [tilespmem:s9+$0xF0]  }
0x260: {  	v63 =	vadd.s32 v7, v20;
	[tilespmem:v52+s22+$0x0] =	vst.idx.msk $0xffff, v13;
	v62 =	vld [tilespmem:s9+$0xFFFFFF70]  }
0x261: {  	v59 =	vadd.s32 v7, v23;
	[tilespmem:v53+s22+$0x0] =	vst.idx.msk $0xffff, v11;
	v58 =	vld [tilespmem:s9+$0xFFFFFFF0]  }
0x262: {  	s11 =	sshll.u32 s0, $0x3;
	[tilespmem:v50+s22+$0x0] =	vst.idx.msk $0xffff, v49;
	v61 =	vadd.s32 v7, v24;
	v60 =	vld [tilespmem:s9+$0x70]  }
0x263: {  	s6 =	sand.u32 $0x1C00, s11;
	s23 =	sshrl.u32 s0, $0x3;
	[tilespmem:v56+s22+$0x0] =	vst.idx.msk $0xffff, v55  }
0x264: {  	s1 =	sor.u32 s1, s6;
	s0 =	sand.u32 $0x380, s23;
	[tilespmem:v12+s22+$0x0] =	vst.idx.msk $0xffff, v17  }
0x265: {  	s0 =	sor.u32 s0, s1;
	[tilespmem:v63+s22+$0x0] =	vst.idx.msk $0xffff, v62  }
0x266: {  	s0 =	sshrl.u32 s0, $0x3;
	[tilespmem:v59+s22+$0x0] =	vst.idx.msk $0xffff, v58  }
0x267: {  	s31 =	simm.s32 $0x123F0;
	s1 =	simm.s32 $0x220;
	s0 =	sadd.s32 s3, s0;
	[tilespmem:v61+s22+$0x0] =	vst.idx.msk $0xffff, v60  }
0x268: {  	[hbm4b:s0+s5] =	stream.linear.scatter [tilespmem:s31], [sflag:$0x4], $0x80, $0x38;
	[tilespmem:$0x16D40] =	vst v63  }
.LBB2_17:
0x269: {  	p0 =	sne.s32 s1, $0x12320  }
.Ltmp8:
0x26a: {  	_ = 	snop;
	(pc) =	sbr.rel @p0 .LBB2_17-.Ltmp8, $4  }
0x26b: {  	_ = 	snop  }
0x26c: {  	s6 =	sshra.s32 s1, $0x2;
	s1 =	sadd.s32 $0x220, s1  }
0x26d: {  	s0 =	sadd.s32 $0x6400, s0;
	s6 =	sadd.s32 $0x123F0, s6  }
0x26e: {  	[hbm4b:s0+s5] =	stream.linear.scatter [tilespmem:s6], [sflag:$0x4], $0x80, $0x38;
	[tilespmem:$0x16D40] =	vst v63  }
0x26f: {  	s30 =	sadd.s32 $0x1, s30  }
0x270: {  	p0 =	sne.s32 s30, $0x19  }
.Ltmp9:
0x271: {  	_ = 	snop;
	(pc) =	sbr.rel @p0 .LBB2_2-.Ltmp9, $3  }
0x272: {  	_ =	sdelay $0x1  }
0x273: {  	s26 =	sadd.s32 $0x100, s26  }
0x274: {  	s25 =	sadd.s32 $0x100, s25;
	s28 =	sadd.s32 $0x100, s28;
	s29 =	sadd.s32 $0x100, s29  }
0x275: {  	s0 =	simm.s32 $0x3  }
0x276: {  	_ =	swait.ge [sflag:s0], $0x4500  }
0x277: {  	[sflag:s0] =	ssyncset.done $0x0  }
0x278: {  	[sflag:s0] =	ssyncadd.s32 $0xFFFFBB00  }
0x279: {  	_ =	swait.ge [sflag:s20], $0x4500  }
0x27a: {  	s24 =	sadd.s32 $0x1, s24;
	s31 =	rddreg [dreg:$0x9]  }
0x27b: {  	p0 =	sne.s32 s24, s31  }
.Ltmp10:
0x27c: {  	_ = 	snop;
	(pc) =	sbr.rel @p0 .LBB2_1-.Ltmp10, $3  }
0x27d: {  	_ =	sdelay $0x1  }
0x27e: {  	[sflag:s20] =	ssyncset.done $0x0  }
0x27f: {  	[sflag:s20] =	ssyncadd.s32 $0xFFFFBB00  }
0x280: {  	_ =	sfence.sel $0x180000  }
0x281: {  	[bflag:$0x0] =	sbarrier.arrive $0xFFFF  }
0x282: {  	_ =	strace $0x90000047  }
0x283: {  	s0 =	stileid.u32;
	[bflag:$0x2] =	sbarrier.arrive $0xFFFF  }
0x284: {  	p0 =	sne.s32 s0, $0x0;
	s0 =	rddreg [dreg:$0x3]  }
0x285: {  	s0 =	sadd.s32 @!p0 $0x100000, s0  }
0x286: {  	[sflag:s0] =	ssyncadd.tile.s32 @!p0 $0x1;
	_ =	shalt  }
.Lfunc_end2:
_tile_overlayer_lowered:
.L_overlay_start_2:
0x287: {  	(tag) =	ssettag $0x2  }
0x288: {  	s0 =	rddreg [dreg:$0x0];
	s2 =	stileid.u32  }
0x289: {  	s1 =	rddreg [dreg:$0x1];
	p0 =	sne.s32 s2, $0x0  }
0x28a: {  	s3 =	rddreg [dreg:$0x2];
	[bflag:$0x3] =	sbarrier.arrive $0xFFFF;
	s2 =	simm.s32 @!p0 $0x1C05  }
0x28b: {  	[timem:s3], [sflag:s2] =	dma.local @!p0 [hbm:s0], s1  }
0x28c: {  	s0 =	simm.s32 @!p0 $0x5  }
0x28d: {  	_ =	swait.ge @!p0 [sflag:s0], s1  }
0x28e: {  	s1 =	ssub.s32 @!p0 $0x0, s1;
	[sflag:s0] =	ssyncset.done @!p0 $0x0  }
0x28f: {  	[sflag:s0] =	ssyncadd.s32 @!p0 s1  }
0x290: {  	[bflag:$0x3] =	sbarrier.arrive $0xFFFF  }
0x291: {  	_ =	shalt  }

</sc_bundles>
